<compile_context>
chip_gen: v7x
topology: tpu7x:2x2x1
jax: 0.10.2.dev20260603
libtpu: 0.0.44.dev20260713+nightly
codegen_flags: <defaults>
</compile_context>

<pallas_src>
import functools

import jax
import jax.numpy as jnp
from jax import lax
from jax.experimental import pallas as pl
from jax.experimental.pallas import tpu as pltpu
from jax.experimental.pallas import tpu_sc as plsc

D_MODEL = 1024


@functools.partial(jax.jit, static_argnums=(2, 3))
def _gather_rows_sc(idx, table, B, D):
    info = plsc.get_sparse_core_info()
    NC, NS = info.num_cores, info.num_subcores
    NW = NC * NS
    b_per_w = B // NW
    CH = 16
    NB = 4
    n_chunks = b_per_w // CH

    mesh = plsc.VectorSubcoreMesh(core_axis_name="c", subcore_axis_name="s")

    @functools.partial(
        pl.kernel,
        out_type=jax.ShapeDtypeStruct((B, D), jnp.float32),
        mesh=mesh,
        scratch_types=[
            pltpu.VMEM((b_per_w,), jnp.int32),
            pltpu.VMEM((NB, CH, D), jnp.float32),
            pltpu.SemaphoreType.DMA((NB,)),
            pltpu.SemaphoreType.DMA((NB,)),
            pltpu.SemaphoreType.DMA,
        ],
    )
    def k(idx_hbm, table_hbm, out_hbm, idx_v, rows_v, gsem, osem, isem):
        wid = lax.axis_index("s") * NC + lax.axis_index("c")
        base = wid * b_per_w
        head = CH * NB
        head_cp = pltpu.make_async_copy(
            idx_hbm.at[pl.ds(base, head)], idx_v.at[pl.ds(0, head)], isem
        )
        tail_cp = pltpu.make_async_copy(
            idx_hbm.at[pl.ds(base + head, b_per_w - head)],
            idx_v.at[pl.ds(head, b_per_w - head)],
            isem,
        )
        head_cp.start()
        tail_cp.start()
        head_cp.wait()

        def gather(c, b):
            return pltpu.make_async_copy(
                table_hbm.at[idx_v.at[pl.ds(c * CH, CH)]],
                rows_v.at[b],
                gsem.at[b],
            )

        def put(c, b):
            return pltpu.make_async_copy(
                rows_v.at[b],
                out_hbm.at[pl.ds(base + c * CH, CH)],
                osem.at[b],
            )

        for b in range(NB):
            gather(b, b).start()
        tail_cp.wait()

        @pl.loop(0, n_chunks, step=NB)
        def _(g):
            for b in range(NB):
                c = g + b
                gather(c, b).wait()
                put(c, b).start()

                @pl.when(c + NB < n_chunks)
                def _():
                    put(c, b).wait()
                    gather(c + NB, b).start()

        for b in range(NB):
            put(n_chunks - NB + b, b).wait()

    return k(idx, table)


def kernel(tokens, W_E):
    B = tokens.size
    idx = tokens.reshape(B).astype(jnp.int32)
    out = _gather_rows_sc(idx, W_E, B, D_MODEL)
    return out.reshape(tokens.shape + (D_MODEL,))

# --- scband reference (transcript-rebuilt; emitter-appended) ---
"""Pipeline reference for scband-embed-12481174962245 (READ-ONLY COPY).

The authoritative reference and input builder live on the scoring server;
editing this copy changes nothing except your own understanding.
"""

import jax, jax.numpy as jnp
import numpy as np

D_VOCAB = 100000
D_MODEL = 1024

def setup_inputs(seed: int = 0) -> dict:
    key = jax.random.key(seed)
    k_tok, k_w = jax.random.split(key)
    tokens = jax.random.randint(k_tok, (4, 4096), 0, D_VOCAB, dtype=jnp.int64 if jax.config.read('jax_enable_x64') else jnp.int32)
    W_E = jax.random.normal(k_w, (D_VOCAB, D_MODEL), dtype=jnp.float32) * 0.5
    return {"tokens": tokens, "W_E": W_E}

def reference(tokens, W_E):
    # Embed.forward: self.W_E[tokens]
    return jnp.take(W_E, tokens, axis=0)

if __name__ == "__main__":
    import jax
    _d = setup_inputs()
    print(jax.jit(kernel)(*tuple(_d.values())))

</pallas_src>

<mosaic_0001>
#map = affine_map<(d0, d1) -> (0)>
#map1 = affine_map<(d0, d1) -> (0, 0)>
module attributes {stable_mosaic.version = 14 : i64} {
  func.func @k(%arg0: i32, %arg1: i32, %arg2: memref<16384xi32, #tpu.memory_space<hbm>>, %arg3: memref<100000x1024xf32, #tpu.memory_space<hbm>>, %arg4: memref<16384x1024xf32, #tpu.memory_space<hbm>>, %arg5: memref<512xi32, #tpu.memory_space<vmem>>, %arg6: memref<4x16x1024xf32, #tpu.memory_space<vmem>>, %arg7: memref<4x!tpu.dma_semaphore, #tpu.memory_space<semaphore_mem>>, %arg8: memref<4x!tpu.dma_semaphore, #tpu.memory_space<semaphore_mem>>, %arg9: memref<!tpu.dma_semaphore, #tpu.memory_space<semaphore_mem>>) attributes {dimension_semantics = [#tpu.dimension_semantics<core_parallel>, #tpu.dimension_semantics<subcore_parallel>], iteration_bounds = array<i64: 2, 16>, scalar_prefetch = 0 : i64, scratch_operands = 5 : i64, tpu.core_type = #tpu.core_type<sc_vector_subcore>, window_params = [{transform_indices = #map}, {transform_indices = #map1}, {transform_indices = #map1}]} {
    %mul3A = arith.constant 2 : i32
    %mul3A_0 = arith.muli %arg1, %mul3A : i32
    %add3A = arith.addi %mul3A_0, %arg0 : i32
    %mul3A_1 = arith.constant 512 : i32
    %mul3A_2 = arith.muli %add3A, %mul3A_1 : i32
    %add3A_3 = arith.constant 64 : i32
    %add3A_4 = arith.addi %mul3A_2, %add3A_3 : i32
    %dma_start3A = arith.constant 0 : i32
    %dma_start3A_5 = tpu.memref_slice %arg5[%dma_start3A] : memref<512xi32, #tpu.memory_space<vmem>> -> memref<64xi32, #tpu.memory_space<vmem>>
    %dma_start3A_6 = tpu.memref_slice %arg2[%mul3A_2] : memref<16384xi32, #tpu.memory_space<hbm>> -> memref<64xi32, #tpu.memory_space<hbm>>
    %dma_start3A_7 = arith.constant 0 : i32
    %dma_start3A_8 = tpu.memref_slice %arg5[%dma_start3A_7] : memref<512xi32, #tpu.memory_space<vmem>> -> memref<64xi32, #tpu.memory_space<vmem>>
    %dma_start3A_9 = tpu.memref_slice %arg2[%mul3A_2] : memref<16384xi32, #tpu.memory_space<hbm>> -> memref<64xi32, #tpu.memory_space<hbm>>
    tpu.enqueue_dma source(%dma_start3A_9 : memref<64xi32, #tpu.memory_space<hbm>>) target(%dma_start3A_8 : memref<64xi32, #tpu.memory_space<vmem>>) target_semaphore(%arg9 : memref<!tpu.dma_semaphore, #tpu.memory_space<semaphore_mem>>)
    %dma_start3A_10 = arith.constant 64 : i32
    %dma_start3A_11 = tpu.memref_slice %arg5[%dma_start3A_10] : memref<512xi32, #tpu.memory_space<vmem>> -> memref<448xi32, #tpu.memory_space<vmem>>
    %dma_start3A_12 = tpu.memref_slice %arg2[%add3A_4] : memref<16384xi32, #tpu.memory_space<hbm>> -> memref<448xi32, #tpu.memory_space<hbm>>
    %dma_start3A_13 = arith.constant 64 : i32
    %dma_start3A_14 = tpu.memref_slice %arg5[%dma_start3A_13] : memref<512xi32, #tpu.memory_space<vmem>> -> memref<448xi32, #tpu.memory_space<vmem>>
    %dma_start3A_15 = tpu.memref_slice %arg2[%add3A_4] : memref<16384xi32, #tpu.memory_space<hbm>> -> memref<448xi32, #tpu.memory_space<hbm>>
    tpu.enqueue_dma source(%dma_start3A_15 : memref<448xi32, #tpu.memory_space<hbm>>) target(%dma_start3A_14 : memref<448xi32, #tpu.memory_space<vmem>>) target_semaphore(%arg9 : memref<!tpu.dma_semaphore, #tpu.memory_space<semaphore_mem>>)
    %dma_wait3A = arith.constant 0 : i32
    %dma_wait3A_16 = tpu.memref_slice %arg5[%dma_wait3A] : memref<512xi32, #tpu.memory_space<vmem>> -> memref<64xi32, #tpu.memory_space<vmem>>
    %dma_wait3A_17 = tpu.memref_slice %arg2[%mul3A_2] : memref<16384xi32, #tpu.memory_space<hbm>> -> memref<64xi32, #tpu.memory_space<hbm>>
    %dma_wait3A_18 = arith.constant 0 : i32
    %dma_wait3A_19 = tpu.memref_slice %arg5[%dma_wait3A_18] : memref<512xi32, #tpu.memory_space<vmem>> -> memref<64xi32, #tpu.memory_space<vmem>>
    %dma_wait3A_20 = tpu.memref_slice %arg2[%mul3A_2] : memref<16384xi32, #tpu.memory_space<hbm>> -> memref<64xi32, #tpu.memory_space<hbm>>
    tpu.wait_dma2 semaphore(%arg9 : memref<!tpu.dma_semaphore, #tpu.memory_space<semaphore_mem>>) src(%dma_wait3A_20 : memref<64xi32, #tpu.memory_space<hbm>>) dst(%dma_wait3A_19 : memref<64xi32, #tpu.memory_space<vmem>>)
    %dma_start3A_21 = arith.constant 0 : i32
    %dma_start3A_22 = arith.constant 0 : i32
    %dma_start3A_23 = arith.constant 0 : i32
    %dma_start3A_24 = arith.constant 0 : i32
    %dma_start3A_25 = tpu.memref_slice %arg6[%dma_start3A_21, %dma_start3A_23, %dma_start3A_24] : memref<4x16x1024xf32, #tpu.memory_space<vmem>> -> memref<1x16x1024xf32, #tpu.memory_space<vmem>>
    %dma_start3A_26 = tpu.memref_squeeze %dma_start3A_25 : memref<1x16x1024xf32, #tpu.memory_space<vmem>> -> memref<16x1024xf32, #tpu.memory_space<vmem>>
    %dma_start3A_27 = arith.constant 0 : i32
    %dma_start3A_28 = tpu.memref_slice %arg5[%dma_start3A_27] : memref<512xi32, #tpu.memory_space<vmem>> -> memref<16xi32, #tpu.memory_space<vmem>>
    %dma_start3A_29 = arith.constant 0 : i32
    %dma_start3A_30 = arith.constant 0 : i32
    %dma_start3A_31 = tpu.memref_slice %arg3[%dma_start3A_29, %dma_start3A_30] : memref<100000x1024xf32, #tpu.memory_space<hbm>> -> memref<100000x1024xf32, #tpu.memory_space<hbm>>
    %dma_start3A_32 = tpu.memref_slice %arg7[%dma_start3A_22] : memref<4x!tpu.dma_semaphore, #tpu.memory_space<semaphore_mem>> -> memref<1x!tpu.dma_semaphore, #tpu.memory_space<semaphore_mem>>
    %dma_start3A_33 = tpu.memref_squeeze %dma_start3A_32 : memref<1x!tpu.dma_semaphore, #tpu.memory_space<semaphore_mem>> -> memref<!tpu.dma_semaphore, #tpu.memory_space<semaphore_mem>>
    tpu.enqueue_indirect_dma source(%dma_start3A_31 : memref<100000x1024xf32, #tpu.memory_space<hbm>>) target(%dma_start3A_26 : memref<16x1024xf32, #tpu.memory_space<vmem>>) offsets(%dma_start3A_28 : memref<16xi32, #tpu.memory_space<vmem>>) semaphore(%dma_start3A_33 : memref<!tpu.dma_semaphore, #tpu.memory_space<semaphore_mem>>)
    %dma_start3A_34 = arith.constant 1 : i32
    %dma_start3A_35 = arith.constant 1 : i32
    %dma_start3A_36 = arith.constant 0 : i32
    %dma_start3A_37 = arith.constant 0 : i32
    %dma_start3A_38 = tpu.memref_slice %arg6[%dma_start3A_34, %dma_start3A_36, %dma_start3A_37] : memref<4x16x1024xf32, #tpu.memory_space<vmem>> -> memref<1x16x1024xf32, #tpu.memory_space<vmem>>
    %dma_start3A_39 = tpu.memref_squeeze %dma_start3A_38 : memref<1x16x1024xf32, #tpu.memory_space<vmem>> -> memref<16x1024xf32, #tpu.memory_space<vmem>>
    %dma_start3A_40 = arith.constant 16 : i32
    %dma_start3A_41 = tpu.memref_slice %arg5[%dma_start3A_40] : memref<512xi32, #tpu.memory_space<vmem>> -> memref<16xi32, #tpu.memory_space<vmem>>
    %dma_start3A_42 = arith.constant 0 : i32
    %dma_start3A_43 = arith.constant 0 : i32
    %dma_start3A_44 = tpu.memref_slice %arg3[%dma_start3A_42, %dma_start3A_43] : memref<100000x1024xf32, #tpu.memory_space<hbm>> -> memref<100000x1024xf32, #tpu.memory_space<hbm>>
    %dma_start3A_45 = tpu.memref_slice %arg7[%dma_start3A_35] : memref<4x!tpu.dma_semaphore, #tpu.memory_space<semaphore_mem>> -> memref<1x!tpu.dma_semaphore, #tpu.memory_space<semaphore_mem>>
    %dma_start3A_46 = tpu.memref_squeeze %dma_start3A_45 : memref<1x!tpu.dma_semaphore, #tpu.memory_space<semaphore_mem>> -> memref<!tpu.dma_semaphore, #tpu.memory_space<semaphore_mem>>
    tpu.enqueue_indirect_dma source(%dma_start3A_44 : memref<100000x1024xf32, #tpu.memory_space<hbm>>) target(%dma_start3A_39 : memref<16x1024xf32, #tpu.memory_space<vmem>>) offsets(%dma_start3A_41 : memref<16xi32, #tpu.memory_space<vmem>>) semaphore(%dma_start3A_46 : memref<!tpu.dma_semaphore, #tpu.memory_space<semaphore_mem>>)
    %dma_start3A_47 = arith.constant 2 : i32
    %dma_start3A_48 = arith.constant 2 : i32
    %dma_start3A_49 = arith.constant 0 : i32
    %dma_start3A_50 = arith.constant 0 : i32
    %dma_start3A_51 = tpu.memref_slice %arg6[%dma_start3A_47, %dma_start3A_49, %dma_start3A_50] : memref<4x16x1024xf32, #tpu.memory_space<vmem>> -> memref<1x16x1024xf32, #tpu.memory_space<vmem>>
    %dma_start3A_52 = tpu.memref_squeeze %dma_start3A_51 : memref<1x16x1024xf32, #tpu.memory_space<vmem>> -> memref<16x1024xf32, #tpu.memory_space<vmem>>
    %dma_start3A_53 = arith.constant 32 : i32
    %dma_start3A_54 = tpu.memref_slice %arg5[%dma_start3A_53] : memref<512xi32, #tpu.memory_space<vmem>> -> memref<16xi32, #tpu.memory_space<vmem>>
    %dma_start3A_55 = arith.constant 0 : i32
    %dma_start3A_56 = arith.constant 0 : i32
    %dma_start3A_57 = tpu.memref_slice %arg3[%dma_start3A_55, %dma_start3A_56] : memref<100000x1024xf32, #tpu.memory_space<hbm>> -> memref<100000x1024xf32, #tpu.memory_space<hbm>>
    %dma_start3A_58 = tpu.memref_slice %arg7[%dma_start3A_48] : memref<4x!tpu.dma_semaphore, #tpu.memory_space<semaphore_mem>> -> memref<1x!tpu.dma_semaphore, #tpu.memory_space<semaphore_mem>>
    %dma_start3A_59 = tpu.memref_squeeze %dma_start3A_58 : memref<1x!tpu.dma_semaphore, #tpu.memory_space<semaphore_mem>> -> memref<!tpu.dma_semaphore, #tpu.memory_space<semaphore_mem>>
    tpu.enqueue_indirect_dma source(%dma_start3A_57 : memref<100000x1024xf32, #tpu.memory_space<hbm>>) target(%dma_start3A_52 : memref<16x1024xf32, #tpu.memory_space<vmem>>) offsets(%dma_start3A_54 : memref<16xi32, #tpu.memory_space<vmem>>) semaphore(%dma_start3A_59 : memref<!tpu.dma_semaphore, #tpu.memory_space<semaphore_mem>>)
    %dma_start3A_60 = arith.constant 3 : i32
    %dma_start3A_61 = arith.constant 3 : i32
    %dma_start3A_62 = arith.constant 0 : i32
    %dma_start3A_63 = arith.constant 0 : i32
    %dma_start3A_64 = tpu.memref_slice %arg6[%dma_start3A_60, %dma_start3A_62, %dma_start3A_63] : memref<4x16x1024xf32, #tpu.memory_space<vmem>> -> memref<1x16x1024xf32, #tpu.memory_space<vmem>>
    %dma_start3A_65 = tpu.memref_squeeze %dma_start3A_64 : memref<1x16x1024xf32, #tpu.memory_space<vmem>> -> memref<16x1024xf32, #tpu.memory_space<vmem>>
    %dma_start3A_66 = arith.constant 48 : i32
    %dma_start3A_67 = tpu.memref_slice %arg5[%dma_start3A_66] : memref<512xi32, #tpu.memory_space<vmem>> -> memref<16xi32, #tpu.memory_space<vmem>>
    %dma_start3A_68 = arith.constant 0 : i32
    %dma_start3A_69 = arith.constant 0 : i32
    %dma_start3A_70 = tpu.memref_slice %arg3[%dma_start3A_68, %dma_start3A_69] : memref<100000x1024xf32, #tpu.memory_space<hbm>> -> memref<100000x1024xf32, #tpu.memory_space<hbm>>
    %dma_start3A_71 = tpu.memref_slice %arg7[%dma_start3A_61] : memref<4x!tpu.dma_semaphore, #tpu.memory_space<semaphore_mem>> -> memref<1x!tpu.dma_semaphore, #tpu.memory_space<semaphore_mem>>
    %dma_start3A_72 = tpu.memref_squeeze %dma_start3A_71 : memref<1x!tpu.dma_semaphore, #tpu.memory_space<semaphore_mem>> -> memref<!tpu.dma_semaphore, #tpu.memory_space<semaphore_mem>>
    tpu.enqueue_indirect_dma source(%dma_start3A_70 : memref<100000x1024xf32, #tpu.memory_space<hbm>>) target(%dma_start3A_65 : memref<16x1024xf32, #tpu.memory_space<vmem>>) offsets(%dma_start3A_67 : memref<16xi32, #tpu.memory_space<vmem>>) semaphore(%dma_start3A_72 : memref<!tpu.dma_semaphore, #tpu.memory_space<semaphore_mem>>)
    %dma_wait3A_73 = arith.constant 64 : i32
    %dma_wait3A_74 = tpu.memref_slice %arg5[%dma_wait3A_73] : memref<512xi32, #tpu.memory_space<vmem>> -> memref<448xi32, #tpu.memory_space<vmem>>
    %dma_wait3A_75 = tpu.memref_slice %arg2[%add3A_4] : memref<16384xi32, #tpu.memory_space<hbm>> -> memref<448xi32, #tpu.memory_space<hbm>>
    %dma_wait3A_76 = arith.constant 64 : i32
    %dma_wait3A_77 = tpu.memref_slice %arg5[%dma_wait3A_76] : memref<512xi32, #tpu.memory_space<vmem>> -> memref<448xi32, #tpu.memory_space<vmem>>
    %dma_wait3A_78 = tpu.memref_slice %arg2[%add3A_4] : memref<16384xi32, #tpu.memory_space<hbm>> -> memref<448xi32, #tpu.memory_space<hbm>>
    tpu.wait_dma2 semaphore(%arg9 : memref<!tpu.dma_semaphore, #tpu.memory_space<semaphore_mem>>) src(%dma_wait3A_78 : memref<448xi32, #tpu.memory_space<hbm>>) dst(%dma_wait3A_77 : memref<448xi32, #tpu.memory_space<vmem>>)
    %scan3A = arith.constant 0 : i32
    %scan3A_79 = arith.constant 8 : i32
    %scan3A_80 = arith.addi %scan3A, %scan3A_79 : i32
    %scan3A_81 = arith.constant 1 : i32
    scf.for %scan3A_155 = %scan3A to %scan3A_80 step %scan3A_81  : i32 {
      %mul3A_156 = arith.constant 4 : i32
      %mul3A_157 = arith.muli %scan3A_155, %mul3A_156 : i32
      %add3A_158 = arith.constant 0 : i32
      %add3A_159 = arith.addi %add3A_158, %mul3A_157 : i32
      %add3A_160 = arith.constant 0 : i32
      %add3A_161 = arith.addi %add3A_159, %add3A_160 : i32
      %mul3A_162 = arith.constant 16 : i32
      %mul3A_163 = arith.muli %add3A_161, %mul3A_162 : i32
      %dma_wait3A_164 = arith.constant 0 : i32
      %dma_wait3A_165 = arith.constant 0 : i32
      %dma_wait3A_166 = arith.constant 0 : i32
      %dma_wait3A_167 = arith.constant 0 : i32
      %dma_wait3A_168 = tpu.memref_slice %arg6[%dma_wait3A_164, %dma_wait3A_166, %dma_wait3A_167] : memref<4x16x1024xf32, #tpu.memory_space<vmem>> -> memref<1x16x1024xf32, #tpu.memory_space<vmem>>
      %dma_wait3A_169 = tpu.memref_squeeze %dma_wait3A_168 : memref<1x16x1024xf32, #tpu.memory_space<vmem>> -> memref<16x1024xf32, #tpu.memory_space<vmem>>
      %dma_wait3A_170 = tpu.memref_slice %arg5[%mul3A_163] : memref<512xi32, #tpu.memory_space<vmem>> -> memref<16xi32, #tpu.memory_space<vmem>>
      %dma_wait3A_171 = arith.constant 0 : i32
      %dma_wait3A_172 = arith.constant 0 : i32
      %dma_wait3A_173 = tpu.memref_slice %arg3[%dma_wait3A_171, %dma_wait3A_172] : memref<100000x1024xf32, #tpu.memory_space<hbm>> -> memref<100000x1024xf32, #tpu.memory_space<hbm>>
      %dma_wait3A_174 = tpu.memref_slice %arg7[%dma_wait3A_165] : memref<4x!tpu.dma_semaphore, #tpu.memory_space<semaphore_mem>> -> memref<1x!tpu.dma_semaphore, #tpu.memory_space<semaphore_mem>>
      %dma_wait3A_175 = tpu.memref_squeeze %dma_wait3A_174 : memref<1x!tpu.dma_semaphore, #tpu.memory_space<semaphore_mem>> -> memref<!tpu.dma_semaphore, #tpu.memory_space<semaphore_mem>>
      tpu.wait_indirect_dma semaphore(%dma_wait3A_175 : memref<!tpu.dma_semaphore, #tpu.memory_space<semaphore_mem>>) src(%dma_wait3A_173 : memref<100000x1024xf32, #tpu.memory_space<hbm>>) dst(%dma_wait3A_169 : memref<16x1024xf32, #tpu.memory_space<vmem>>)
      %mul3A_176 = arith.constant 16 : i32
      %mul3A_177 = arith.muli %add3A_161, %mul3A_176 : i32
      %add3A_178 = arith.addi %mul3A_2, %mul3A_177 : i32
      %dma_start3A_179 = arith.constant 0 : i32
      %dma_start3A_180 = arith.constant 0 : i32
      %dma_start3A_181 = arith.constant 0 : i32
      %dma_start3A_182 = arith.constant 0 : i32
      %dma_start3A_183 = tpu.memref_slice %arg6[%dma_start3A_179, %dma_start3A_181, %dma_start3A_182] : memref<4x16x1024xf32, #tpu.memory_space<vmem>> -> memref<1x16x1024xf32, #tpu.memory_space<vmem>>
      %dma_start3A_184 = tpu.memref_squeeze %dma_start3A_183 : memref<1x16x1024xf32, #tpu.memory_space<vmem>> -> memref<16x1024xf32, #tpu.memory_space<vmem>>
      %dma_start3A_185 = arith.constant 0 : i32
      %dma_start3A_186 = tpu.memref_slice %arg4[%add3A_178, %dma_start3A_185] : memref<16384x1024xf32, #tpu.memory_space<hbm>> -> memref<16x1024xf32, #tpu.memory_space<hbm>>
      %dma_start3A_187 = tpu.memref_slice %arg8[%dma_start3A_180] : memref<4x!tpu.dma_semaphore, #tpu.memory_space<semaphore_mem>> -> memref<1x!tpu.dma_semaphore, #tpu.memory_space<semaphore_mem>>
      %dma_start3A_188 = tpu.memref_squeeze %dma_start3A_187 : memref<1x!tpu.dma_semaphore, #tpu.memory_space<semaphore_mem>> -> memref<!tpu.dma_semaphore, #tpu.memory_space<semaphore_mem>>
      %dma_start3A_189 = arith.constant 0 : i32
      %dma_start3A_190 = tpu.memref_slice %arg4[%add3A_178, %dma_start3A_189] : memref<16384x1024xf32, #tpu.memory_space<hbm>> -> memref<16x1024xf32, #tpu.memory_space<hbm>>
      %dma_start3A_191 = arith.constant 0 : i32
      %dma_start3A_192 = arith.constant 0 : i32
      %dma_start3A_193 = tpu.memref_slice %arg6[%dma_start3A_179, %dma_start3A_191, %dma_start3A_192] : memref<4x16x1024xf32, #tpu.memory_space<vmem>> -> memref<1x16x1024xf32, #tpu.memory_space<vmem>>
      %dma_start3A_194 = tpu.memref_squeeze %dma_start3A_193 : memref<1x16x1024xf32, #tpu.memory_space<vmem>> -> memref<16x1024xf32, #tpu.memory_space<vmem>>
      tpu.enqueue_dma source(%dma_start3A_194 : memref<16x1024xf32, #tpu.memory_space<vmem>>) target(%dma_start3A_190 : memref<16x1024xf32, #tpu.memory_space<hbm>>) target_semaphore(%dma_start3A_188 : memref<!tpu.dma_semaphore, #tpu.memory_space<semaphore_mem>>)
      %add3A_195 = arith.constant 4 : i32
      %add3A_196 = arith.addi %add3A_161, %add3A_195 : i32
      %lt3A = arith.constant 32 : i32
      %lt3A_197 = arith.cmpi slt, %add3A_196, %lt3A : i32
      %convert_element_type3A = arith.extui %lt3A_197 : i1 to i32
      %cond3A = arith.constant 0 : i32
      %cond3A_198 = arith.cmpi ne, %convert_element_type3A, %cond3A : i32
      scf.if %cond3A_198 {
        %mul3A_325 = arith.constant 16 : i32
        %mul3A_326 = arith.muli %add3A_161, %mul3A_325 : i32
        %add3A_327 = arith.addi %mul3A_2, %mul3A_326 : i32
        %dma_wait3A_328 = arith.constant 0 : i32
        %dma_wait3A_329 = arith.constant 0 : i32
        %dma_wait3A_330 = arith.constant 0 : i32
        %dma_wait3A_331 = arith.constant 0 : i32
        %dma_wait3A_332 = tpu.memref_slice %arg6[%dma_wait3A_328, %dma_wait3A_330, %dma_wait3A_331] : memref<4x16x1024xf32, #tpu.memory_space<vmem>> -> memref<1x16x1024xf32, #tpu.memory_space<vmem>>
        %dma_wait3A_333 = tpu.memref_squeeze %dma_wait3A_332 : memref<1x16x1024xf32, #tpu.memory_space<vmem>> -> memref<16x1024xf32, #tpu.memory_space<vmem>>
        %dma_wait3A_334 = arith.constant 0 : i32
        %dma_wait3A_335 = tpu.memref_slice %arg4[%add3A_327, %dma_wait3A_334] : memref<16384x1024xf32, #tpu.memory_space<hbm>> -> memref<16x1024xf32, #tpu.memory_space<hbm>>
        %dma_wait3A_336 = tpu.memref_slice %arg8[%dma_wait3A_329] : memref<4x!tpu.dma_semaphore, #tpu.memory_space<semaphore_mem>> -> memref<1x!tpu.dma_semaphore, #tpu.memory_space<semaphore_mem>>
        %dma_wait3A_337 = tpu.memref_squeeze %dma_wait3A_336 : memref<1x!tpu.dma_semaphore, #tpu.memory_space<semaphore_mem>> -> memref<!tpu.dma_semaphore, #tpu.memory_space<semaphore_mem>>
        %dma_wait3A_338 = arith.constant 0 : i32
        %dma_wait3A_339 = tpu.memref_slice %arg4[%add3A_327, %dma_wait3A_338] : memref<16384x1024xf32, #tpu.memory_space<hbm>> -> memref<16x1024xf32, #tpu.memory_space<hbm>>
        %dma_wait3A_340 = arith.constant 0 : i32
        %dma_wait3A_341 = arith.constant 0 : i32
        %dma_wait3A_342 = tpu.memref_slice %arg6[%dma_wait3A_328, %dma_wait3A_340, %dma_wait3A_341] : memref<4x16x1024xf32, #tpu.memory_space<vmem>> -> memref<1x16x1024xf32, #tpu.memory_space<vmem>>
        %dma_wait3A_343 = tpu.memref_squeeze %dma_wait3A_342 : memref<1x16x1024xf32, #tpu.memory_space<vmem>> -> memref<16x1024xf32, #tpu.memory_space<vmem>>
        tpu.wait_dma2 semaphore(%dma_wait3A_337 : memref<!tpu.dma_semaphore, #tpu.memory_space<semaphore_mem>>) src(%dma_wait3A_343 : memref<16x1024xf32, #tpu.memory_space<vmem>>) dst(%dma_wait3A_339 : memref<16x1024xf32, #tpu.memory_space<hbm>>)
        %add3A_344 = arith.constant 4 : i32
        %add3A_345 = arith.addi %add3A_161, %add3A_344 : i32
        %mul3A_346 = arith.constant 16 : i32
        %mul3A_347 = arith.muli %add3A_345, %mul3A_346 : i32
        %dma_start3A_348 = arith.constant 0 : i32
        %dma_start3A_349 = arith.constant 0 : i32
        %dma_start3A_350 = arith.constant 0 : i32
        %dma_start3A_351 = arith.constant 0 : i32
        %dma_start3A_352 = tpu.memref_slice %arg6[%dma_start3A_348, %dma_start3A_350, %dma_start3A_351] : memref<4x16x1024xf32, #tpu.memory_space<vmem>> -> memref<1x16x1024xf32, #tpu.memory_space<vmem>>
        %dma_start3A_353 = tpu.memref_squeeze %dma_start3A_352 : memref<1x16x1024xf32, #tpu.memory_space<vmem>> -> memref<16x1024xf32, #tpu.memory_space<vmem>>
        %dma_start3A_354 = tpu.memref_slice %arg5[%mul3A_347] : memref<512xi32, #tpu.memory_space<vmem>> -> memref<16xi32, #tpu.memory_space<vmem>>
        %dma_start3A_355 = arith.constant 0 : i32
        %dma_start3A_356 = arith.constant 0 : i32
        %dma_start3A_357 = tpu.memref_slice %arg3[%dma_start3A_355, %dma_start3A_356] : memref<100000x1024xf32, #tpu.memory_space<hbm>> -> memref<100000x1024xf32, #tpu.memory_space<hbm>>
        %dma_start3A_358 = tpu.memref_slice %arg7[%dma_start3A_349] : memref<4x!tpu.dma_semaphore, #tpu.memory_space<semaphore_mem>> -> memref<1x!tpu.dma_semaphore, #tpu.memory_space<semaphore_mem>>
        %dma_start3A_359 = tpu.memref_squeeze %dma_start3A_358 : memref<1x!tpu.dma_semaphore, #tpu.memory_space<semaphore_mem>> -> memref<!tpu.dma_semaphore, #tpu.memory_space<semaphore_mem>>
        tpu.enqueue_indirect_dma source(%dma_start3A_357 : memref<100000x1024xf32, #tpu.memory_space<hbm>>) target(%dma_start3A_353 : memref<16x1024xf32, #tpu.memory_space<vmem>>) offsets(%dma_start3A_354 : memref<16xi32, #tpu.memory_space<vmem>>) semaphore(%dma_start3A_359 : memref<!tpu.dma_semaphore, #tpu.memory_space<semaphore_mem>>)
      } else {
      }
      %add3A_199 = arith.constant 1 : i32
      %add3A_200 = arith.addi %add3A_159, %add3A_199 : i32
      %mul3A_201 = arith.constant 16 : i32
      %mul3A_202 = arith.muli %add3A_200, %mul3A_201 : i32
      %dma_wait3A_203 = arith.constant 1 : i32
      %dma_wait3A_204 = arith.constant 1 : i32
      %dma_wait3A_205 = arith.constant 0 : i32
      %dma_wait3A_206 = arith.constant 0 : i32
      %dma_wait3A_207 = tpu.memref_slice %arg6[%dma_wait3A_203, %dma_wait3A_205, %dma_wait3A_206] : memref<4x16x1024xf32, #tpu.memory_space<vmem>> -> memref<1x16x1024xf32, #tpu.memory_space<vmem>>
      %dma_wait3A_208 = tpu.memref_squeeze %dma_wait3A_207 : memref<1x16x1024xf32, #tpu.memory_space<vmem>> -> memref<16x1024xf32, #tpu.memory_space<vmem>>
      %dma_wait3A_209 = tpu.memref_slice %arg5[%mul3A_202] : memref<512xi32, #tpu.memory_space<vmem>> -> memref<16xi32, #tpu.memory_space<vmem>>
      %dma_wait3A_210 = arith.constant 0 : i32
      %dma_wait3A_211 = arith.constant 0 : i32
      %dma_wait3A_212 = tpu.memref_slice %arg3[%dma_wait3A_210, %dma_wait3A_211] : memref<100000x1024xf32, #tpu.memory_space<hbm>> -> memref<100000x1024xf32, #tpu.memory_space<hbm>>
      %dma_wait3A_213 = tpu.memref_slice %arg7[%dma_wait3A_204] : memref<4x!tpu.dma_semaphore, #tpu.memory_space<semaphore_mem>> -> memref<1x!tpu.dma_semaphore, #tpu.memory_space<semaphore_mem>>
      %dma_wait3A_214 = tpu.memref_squeeze %dma_wait3A_213 : memref<1x!tpu.dma_semaphore, #tpu.memory_space<semaphore_mem>> -> memref<!tpu.dma_semaphore, #tpu.memory_space<semaphore_mem>>
      tpu.wait_indirect_dma semaphore(%dma_wait3A_214 : memref<!tpu.dma_semaphore, #tpu.memory_space<semaphore_mem>>) src(%dma_wait3A_212 : memref<100000x1024xf32, #tpu.memory_space<hbm>>) dst(%dma_wait3A_208 : memref<16x1024xf32, #tpu.memory_space<vmem>>)
      %mul3A_215 = arith.constant 16 : i32
      %mul3A_216 = arith.muli %add3A_200, %mul3A_215 : i32
      %add3A_217 = arith.addi %mul3A_2, %mul3A_216 : i32
      %dma_start3A_218 = arith.constant 1 : i32
      %dma_start3A_219 = arith.constant 1 : i32
      %dma_start3A_220 = arith.constant 0 : i32
      %dma_start3A_221 = arith.constant 0 : i32
      %dma_start3A_222 = tpu.memref_slice %arg6[%dma_start3A_218, %dma_start3A_220, %dma_start3A_221] : memref<4x16x1024xf32, #tpu.memory_space<vmem>> -> memref<1x16x1024xf32, #tpu.memory_space<vmem>>
      %dma_start3A_223 = tpu.memref_squeeze %dma_start3A_222 : memref<1x16x1024xf32, #tpu.memory_space<vmem>> -> memref<16x1024xf32, #tpu.memory_space<vmem>>
      %dma_start3A_224 = arith.constant 0 : i32
      %dma_start3A_225 = tpu.memref_slice %arg4[%add3A_217, %dma_start3A_224] : memref<16384x1024xf32, #tpu.memory_space<hbm>> -> memref<16x1024xf32, #tpu.memory_space<hbm>>
      %dma_start3A_226 = tpu.memref_slice %arg8[%dma_start3A_219] : memref<4x!tpu.dma_semaphore, #tpu.memory_space<semaphore_mem>> -> memref<1x!tpu.dma_semaphore, #tpu.memory_space<semaphore_mem>>
      %dma_start3A_227 = tpu.memref_squeeze %dma_start3A_226 : memref<1x!tpu.dma_semaphore, #tpu.memory_space<semaphore_mem>> -> memref<!tpu.dma_semaphore, #tpu.memory_space<semaphore_mem>>
      %dma_start3A_228 = arith.constant 0 : i32
      %dma_start3A_229 = tpu.memref_slice %arg4[%add3A_217, %dma_start3A_228] : memref<16384x1024xf32, #tpu.memory_space<hbm>> -> memref<16x1024xf32, #tpu.memory_space<hbm>>
      %dma_start3A_230 = arith.constant 0 : i32
      %dma_start3A_231 = arith.constant 0 : i32
      %dma_start3A_232 = tpu.memref_slice %arg6[%dma_start3A_218, %dma_start3A_230, %dma_start3A_231] : memref<4x16x1024xf32, #tpu.memory_space<vmem>> -> memref<1x16x1024xf32, #tpu.memory_space<vmem>>
      %dma_start3A_233 = tpu.memref_squeeze %dma_start3A_232 : memref<1x16x1024xf32, #tpu.memory_space<vmem>> -> memref<16x1024xf32, #tpu.memory_space<vmem>>
      tpu.enqueue_dma source(%dma_start3A_233 : memref<16x1024xf32, #tpu.memory_space<vmem>>) target(%dma_start3A_229 : memref<16x1024xf32, #tpu.memory_space<hbm>>) target_semaphore(%dma_start3A_227 : memref<!tpu.dma_semaphore, #tpu.memory_space<semaphore_mem>>)
      %add3A_234 = arith.constant 4 : i32
      %add3A_235 = arith.addi %add3A_200, %add3A_234 : i32
      %lt3A_236 = arith.constant 32 : i32
      %lt3A_237 = arith.cmpi slt, %add3A_235, %lt3A_236 : i32
      %convert_element_type3A_238 = arith.extui %lt3A_237 : i1 to i32
      %cond3A_239 = arith.constant 0 : i32
      %cond3A_240 = arith.cmpi ne, %convert_element_type3A_238, %cond3A_239 : i32
      scf.if %cond3A_240 {
        %mul3A_325 = arith.constant 16 : i32
        %mul3A_326 = arith.muli %add3A_200, %mul3A_325 : i32
        %add3A_327 = arith.addi %mul3A_2, %mul3A_326 : i32
        %dma_wait3A_328 = arith.constant 1 : i32
        %dma_wait3A_329 = arith.constant 1 : i32
        %dma_wait3A_330 = arith.constant 0 : i32
        %dma_wait3A_331 = arith.constant 0 : i32
        %dma_wait3A_332 = tpu.memref_slice %arg6[%dma_wait3A_328, %dma_wait3A_330, %dma_wait3A_331] : memref<4x16x1024xf32, #tpu.memory_space<vmem>> -> memref<1x16x1024xf32, #tpu.memory_space<vmem>>
        %dma_wait3A_333 = tpu.memref_squeeze %dma_wait3A_332 : memref<1x16x1024xf32, #tpu.memory_space<vmem>> -> memref<16x1024xf32, #tpu.memory_space<vmem>>
        %dma_wait3A_334 = arith.constant 0 : i32
        %dma_wait3A_335 = tpu.memref_slice %arg4[%add3A_327, %dma_wait3A_334] : memref<16384x1024xf32, #tpu.memory_space<hbm>> -> memref<16x1024xf32, #tpu.memory_space<hbm>>
        %dma_wait3A_336 = tpu.memref_slice %arg8[%dma_wait3A_329] : memref<4x!tpu.dma_semaphore, #tpu.memory_space<semaphore_mem>> -> memref<1x!tpu.dma_semaphore, #tpu.memory_space<semaphore_mem>>
        %dma_wait3A_337 = tpu.memref_squeeze %dma_wait3A_336 : memref<1x!tpu.dma_semaphore, #tpu.memory_space<semaphore_mem>> -> memref<!tpu.dma_semaphore, #tpu.memory_space<semaphore_mem>>
        %dma_wait3A_338 = arith.constant 0 : i32
        %dma_wait3A_339 = tpu.memref_slice %arg4[%add3A_327, %dma_wait3A_338] : memref<16384x1024xf32, #tpu.memory_space<hbm>> -> memref<16x1024xf32, #tpu.memory_space<hbm>>
        %dma_wait3A_340 = arith.constant 0 : i32
        %dma_wait3A_341 = arith.constant 0 : i32
        %dma_wait3A_342 = tpu.memref_slice %arg6[%dma_wait3A_328, %dma_wait3A_340, %dma_wait3A_341] : memref<4x16x1024xf32, #tpu.memory_space<vmem>> -> memref<1x16x1024xf32, #tpu.memory_space<vmem>>
        %dma_wait3A_343 = tpu.memref_squeeze %dma_wait3A_342 : memref<1x16x1024xf32, #tpu.memory_space<vmem>> -> memref<16x1024xf32, #tpu.memory_space<vmem>>
        tpu.wait_dma2 semaphore(%dma_wait3A_337 : memref<!tpu.dma_semaphore, #tpu.memory_space<semaphore_mem>>) src(%dma_wait3A_343 : memref<16x1024xf32, #tpu.memory_space<vmem>>) dst(%dma_wait3A_339 : memref<16x1024xf32, #tpu.memory_space<hbm>>)
        %add3A_344 = arith.constant 4 : i32
        %add3A_345 = arith.addi %add3A_200, %add3A_344 : i32
        %mul3A_346 = arith.constant 16 : i32
        %mul3A_347 = arith.muli %add3A_345, %mul3A_346 : i32
        %dma_start3A_348 = arith.constant 1 : i32
        %dma_start3A_349 = arith.constant 1 : i32
        %dma_start3A_350 = arith.constant 0 : i32
        %dma_start3A_351 = arith.constant 0 : i32
        %dma_start3A_352 = tpu.memref_slice %arg6[%dma_start3A_348, %dma_start3A_350, %dma_start3A_351] : memref<4x16x1024xf32, #tpu.memory_space<vmem>> -> memref<1x16x1024xf32, #tpu.memory_space<vmem>>
        %dma_start3A_353 = tpu.memref_squeeze %dma_start3A_352 : memref<1x16x1024xf32, #tpu.memory_space<vmem>> -> memref<16x1024xf32, #tpu.memory_space<vmem>>
        %dma_start3A_354 = tpu.memref_slice %arg5[%mul3A_347] : memref<512xi32, #tpu.memory_space<vmem>> -> memref<16xi32, #tpu.memory_space<vmem>>
        %dma_start3A_355 = arith.constant 0 : i32
        %dma_start3A_356 = arith.constant 0 : i32
        %dma_start3A_357 = tpu.memref_slice %arg3[%dma_start3A_355, %dma_start3A_356] : memref<100000x1024xf32, #tpu.memory_space<hbm>> -> memref<100000x1024xf32, #tpu.memory_space<hbm>>
        %dma_start3A_358 = tpu.memref_slice %arg7[%dma_start3A_349] : memref<4x!tpu.dma_semaphore, #tpu.memory_space<semaphore_mem>> -> memref<1x!tpu.dma_semaphore, #tpu.memory_space<semaphore_mem>>
        %dma_start3A_359 = tpu.memref_squeeze %dma_start3A_358 : memref<1x!tpu.dma_semaphore, #tpu.memory_space<semaphore_mem>> -> memref<!tpu.dma_semaphore, #tpu.memory_space<semaphore_mem>>
        tpu.enqueue_indirect_dma source(%dma_start3A_357 : memref<100000x1024xf32, #tpu.memory_space<hbm>>) target(%dma_start3A_353 : memref<16x1024xf32, #tpu.memory_space<vmem>>) offsets(%dma_start3A_354 : memref<16xi32, #tpu.memory_space<vmem>>) semaphore(%dma_start3A_359 : memref<!tpu.dma_semaphore, #tpu.memory_space<semaphore_mem>>)
      } else {
      }
      %add3A_241 = arith.constant 2 : i32
      %add3A_242 = arith.addi %add3A_159, %add3A_241 : i32
      %mul3A_243 = arith.constant 16 : i32
      %mul3A_244 = arith.muli %add3A_242, %mul3A_243 : i32
      %dma_wait3A_245 = arith.constant 2 : i32
      %dma_wait3A_246 = arith.constant 2 : i32
      %dma_wait3A_247 = arith.constant 0 : i32
      %dma_wait3A_248 = arith.constant 0 : i32
      %dma_wait3A_249 = tpu.memref_slice %arg6[%dma_wait3A_245, %dma_wait3A_247, %dma_wait3A_248] : memref<4x16x1024xf32, #tpu.memory_space<vmem>> -> memref<1x16x1024xf32, #tpu.memory_space<vmem>>
      %dma_wait3A_250 = tpu.memref_squeeze %dma_wait3A_249 : memref<1x16x1024xf32, #tpu.memory_space<vmem>> -> memref<16x1024xf32, #tpu.memory_space<vmem>>
      %dma_wait3A_251 = tpu.memref_slice %arg5[%mul3A_244] : memref<512xi32, #tpu.memory_space<vmem>> -> memref<16xi32, #tpu.memory_space<vmem>>
      %dma_wait3A_252 = arith.constant 0 : i32
      %dma_wait3A_253 = arith.constant 0 : i32
      %dma_wait3A_254 = tpu.memref_slice %arg3[%dma_wait3A_252, %dma_wait3A_253] : memref<100000x1024xf32, #tpu.memory_space<hbm>> -> memref<100000x1024xf32, #tpu.memory_space<hbm>>
      %dma_wait3A_255 = tpu.memref_slice %arg7[%dma_wait3A_246] : memref<4x!tpu.dma_semaphore, #tpu.memory_space<semaphore_mem>> -> memref<1x!tpu.dma_semaphore, #tpu.memory_space<semaphore_mem>>
      %dma_wait3A_256 = tpu.memref_squeeze %dma_wait3A_255 : memref<1x!tpu.dma_semaphore, #tpu.memory_space<semaphore_mem>> -> memref<!tpu.dma_semaphore, #tpu.memory_space<semaphore_mem>>
      tpu.wait_indirect_dma semaphore(%dma_wait3A_256 : memref<!tpu.dma_semaphore, #tpu.memory_space<semaphore_mem>>) src(%dma_wait3A_254 : memref<100000x1024xf32, #tpu.memory_space<hbm>>) dst(%dma_wait3A_250 : memref<16x1024xf32, #tpu.memory_space<vmem>>)
      %mul3A_257 = arith.constant 16 : i32
      %mul3A_258 = arith.muli %add3A_242, %mul3A_257 : i32
      %add3A_259 = arith.addi %mul3A_2, %mul3A_258 : i32
      %dma_start3A_260 = arith.constant 2 : i32
      %dma_start3A_261 = arith.constant 2 : i32
      %dma_start3A_262 = arith.constant 0 : i32
      %dma_start3A_263 = arith.constant 0 : i32
      %dma_start3A_264 = tpu.memref_slice %arg6[%dma_start3A_260, %dma_start3A_262, %dma_start3A_263] : memref<4x16x1024xf32, #tpu.memory_space<vmem>> -> memref<1x16x1024xf32, #tpu.memory_space<vmem>>
      %dma_start3A_265 = tpu.memref_squeeze %dma_start3A_264 : memref<1x16x1024xf32, #tpu.memory_space<vmem>> -> memref<16x1024xf32, #tpu.memory_space<vmem>>
      %dma_start3A_266 = arith.constant 0 : i32
      %dma_start3A_267 = tpu.memref_slice %arg4[%add3A_259, %dma_start3A_266] : memref<16384x1024xf32, #tpu.memory_space<hbm>> -> memref<16x1024xf32, #tpu.memory_space<hbm>>
      %dma_start3A_268 = tpu.memref_slice %arg8[%dma_start3A_261] : memref<4x!tpu.dma_semaphore, #tpu.memory_space<semaphore_mem>> -> memref<1x!tpu.dma_semaphore, #tpu.memory_space<semaphore_mem>>
      %dma_start3A_269 = tpu.memref_squeeze %dma_start3A_268 : memref<1x!tpu.dma_semaphore, #tpu.memory_space<semaphore_mem>> -> memref<!tpu.dma_semaphore, #tpu.memory_space<semaphore_mem>>
      %dma_start3A_270 = arith.constant 0 : i32
      %dma_start3A_271 = tpu.memref_slice %arg4[%add3A_259, %dma_start3A_270] : memref<16384x1024xf32, #tpu.memory_space<hbm>> -> memref<16x1024xf32, #tpu.memory_space<hbm>>
      %dma_start3A_272 = arith.constant 0 : i32
      %dma_start3A_273 = arith.constant 0 : i32
      %dma_start3A_274 = tpu.memref_slice %arg6[%dma_start3A_260, %dma_start3A_272, %dma_start3A_273] : memref<4x16x1024xf32, #tpu.memory_space<vmem>> -> memref<1x16x1024xf32, #tpu.memory_space<vmem>>
      %dma_start3A_275 = tpu.memref_squeeze %dma_start3A_274 : memref<1x16x1024xf32, #tpu.memory_space<vmem>> -> memref<16x1024xf32, #tpu.memory_space<vmem>>
      tpu.enqueue_dma source(%dma_start3A_275 : memref<16x1024xf32, #tpu.memory_space<vmem>>) target(%dma_start3A_271 : memref<16x1024xf32, #tpu.memory_space<hbm>>) target_semaphore(%dma_start3A_269 : memref<!tpu.dma_semaphore, #tpu.memory_space<semaphore_mem>>)
      %add3A_276 = arith.constant 4 : i32
      %add3A_277 = arith.addi %add3A_242, %add3A_276 : i32
      %lt3A_278 = arith.constant 32 : i32
      %lt3A_279 = arith.cmpi slt, %add3A_277, %lt3A_278 : i32
      %convert_element_type3A_280 = arith.extui %lt3A_279 : i1 to i32
      %cond3A_281 = arith.constant 0 : i32
      %cond3A_282 = arith.cmpi ne, %convert_element_type3A_280, %cond3A_281 : i32
      scf.if %cond3A_282 {
        %mul3A_325 = arith.constant 16 : i32
        %mul3A_326 = arith.muli %add3A_242, %mul3A_325 : i32
        %add3A_327 = arith.addi %mul3A_2, %mul3A_326 : i32
        %dma_wait3A_328 = arith.constant 2 : i32
        %dma_wait3A_329 = arith.constant 2 : i32
        %dma_wait3A_330 = arith.constant 0 : i32
        %dma_wait3A_331 = arith.constant 0 : i32
        %dma_wait3A_332 = tpu.memref_slice %arg6[%dma_wait3A_328, %dma_wait3A_330, %dma_wait3A_331] : memref<4x16x1024xf32, #tpu.memory_space<vmem>> -> memref<1x16x1024xf32, #tpu.memory_space<vmem>>
        %dma_wait3A_333 = tpu.memref_squeeze %dma_wait3A_332 : memref<1x16x1024xf32, #tpu.memory_space<vmem>> -> memref<16x1024xf32, #tpu.memory_space<vmem>>
        %dma_wait3A_334 = arith.constant 0 : i32
        %dma_wait3A_335 = tpu.memref_slice %arg4[%add3A_327, %dma_wait3A_334] : memref<16384x1024xf32, #tpu.memory_space<hbm>> -> memref<16x1024xf32, #tpu.memory_space<hbm>>
        %dma_wait3A_336 = tpu.memref_slice %arg8[%dma_wait3A_329] : memref<4x!tpu.dma_semaphore, #tpu.memory_space<semaphore_mem>> -> memref<1x!tpu.dma_semaphore, #tpu.memory_space<semaphore_mem>>
        %dma_wait3A_337 = tpu.memref_squeeze %dma_wait3A_336 : memref<1x!tpu.dma_semaphore, #tpu.memory_space<semaphore_mem>> -> memref<!tpu.dma_semaphore, #tpu.memory_space<semaphore_mem>>
        %dma_wait3A_338 = arith.constant 0 : i32
        %dma_wait3A_339 = tpu.memref_slice %arg4[%add3A_327, %dma_wait3A_338] : memref<16384x1024xf32, #tpu.memory_space<hbm>> -> memref<16x1024xf32, #tpu.memory_space<hbm>>
        %dma_wait3A_340 = arith.constant 0 : i32
        %dma_wait3A_341 = arith.constant 0 : i32
        %dma_wait3A_342 = tpu.memref_slice %arg6[%dma_wait3A_328, %dma_wait3A_340, %dma_wait3A_341] : memref<4x16x1024xf32, #tpu.memory_space<vmem>> -> memref<1x16x1024xf32, #tpu.memory_space<vmem>>
        %dma_wait3A_343 = tpu.memref_squeeze %dma_wait3A_342 : memref<1x16x1024xf32, #tpu.memory_space<vmem>> -> memref<16x1024xf32, #tpu.memory_space<vmem>>
        tpu.wait_dma2 semaphore(%dma_wait3A_337 : memref<!tpu.dma_semaphore, #tpu.memory_space<semaphore_mem>>) src(%dma_wait3A_343 : memref<16x1024xf32, #tpu.memory_space<vmem>>) dst(%dma_wait3A_339 : memref<16x1024xf32, #tpu.memory_space<hbm>>)
        %add3A_344 = arith.constant 4 : i32
        %add3A_345 = arith.addi %add3A_242, %add3A_344 : i32
        %mul3A_346 = arith.constant 16 : i32
        %mul3A_347 = arith.muli %add3A_345, %mul3A_346 : i32
        %dma_start3A_348 = arith.constant 2 : i32
        %dma_start3A_349 = arith.constant 2 : i32
        %dma_start3A_350 = arith.constant 0 : i32
        %dma_start3A_351 = arith.constant 0 : i32
        %dma_start3A_352 = tpu.memref_slice %arg6[%dma_start3A_348, %dma_start3A_350, %dma_start3A_351] : memref<4x16x1024xf32, #tpu.memory_space<vmem>> -> memref<1x16x1024xf32, #tpu.memory_space<vmem>>
        %dma_start3A_353 = tpu.memref_squeeze %dma_start3A_352 : memref<1x16x1024xf32, #tpu.memory_space<vmem>> -> memref<16x1024xf32, #tpu.memory_space<vmem>>
        %dma_start3A_354 = tpu.memref_slice %arg5[%mul3A_347] : memref<512xi32, #tpu.memory_space<vmem>> -> memref<16xi32, #tpu.memory_space<vmem>>
        %dma_start3A_355 = arith.constant 0 : i32
        %dma_start3A_356 = arith.constant 0 : i32
        %dma_start3A_357 = tpu.memref_slice %arg3[%dma_start3A_355, %dma_start3A_356] : memref<100000x1024xf32, #tpu.memory_space<hbm>> -> memref<100000x1024xf32, #tpu.memory_space<hbm>>
        %dma_start3A_358 = tpu.memref_slice %arg7[%dma_start3A_349] : memref<4x!tpu.dma_semaphore, #tpu.memory_space<semaphore_mem>> -> memref<1x!tpu.dma_semaphore, #tpu.memory_space<semaphore_mem>>
        %dma_start3A_359 = tpu.memref_squeeze %dma_start3A_358 : memref<1x!tpu.dma_semaphore, #tpu.memory_space<semaphore_mem>> -> memref<!tpu.dma_semaphore, #tpu.memory_space<semaphore_mem>>
        tpu.enqueue_indirect_dma source(%dma_start3A_357 : memref<100000x1024xf32, #tpu.memory_space<hbm>>) target(%dma_start3A_353 : memref<16x1024xf32, #tpu.memory_space<vmem>>) offsets(%dma_start3A_354 : memref<16xi32, #tpu.memory_space<vmem>>) semaphore(%dma_start3A_359 : memref<!tpu.dma_semaphore, #tpu.memory_space<semaphore_mem>>)
      } else {
      }
      %add3A_283 = arith.constant 3 : i32
      %add3A_284 = arith.addi %add3A_159, %add3A_283 : i32
      %mul3A_285 = arith.constant 16 : i32
      %mul3A_286 = arith.muli %add3A_284, %mul3A_285 : i32
      %dma_wait3A_287 = arith.constant 3 : i32
      %dma_wait3A_288 = arith.constant 3 : i32
      %dma_wait3A_289 = arith.constant 0 : i32
      %dma_wait3A_290 = arith.constant 0 : i32
      %dma_wait3A_291 = tpu.memref_slice %arg6[%dma_wait3A_287, %dma_wait3A_289, %dma_wait3A_290] : memref<4x16x1024xf32, #tpu.memory_space<vmem>> -> memref<1x16x1024xf32, #tpu.memory_space<vmem>>
      %dma_wait3A_292 = tpu.memref_squeeze %dma_wait3A_291 : memref<1x16x1024xf32, #tpu.memory_space<vmem>> -> memref<16x1024xf32, #tpu.memory_space<vmem>>
      %dma_wait3A_293 = tpu.memref_slice %arg5[%mul3A_286] : memref<512xi32, #tpu.memory_space<vmem>> -> memref<16xi32, #tpu.memory_space<vmem>>
      %dma_wait3A_294 = arith.constant 0 : i32
      %dma_wait3A_295 = arith.constant 0 : i32
      %dma_wait3A_296 = tpu.memref_slice %arg3[%dma_wait3A_294, %dma_wait3A_295] : memref<100000x1024xf32, #tpu.memory_space<hbm>> -> memref<100000x1024xf32, #tpu.memory_space<hbm>>
      %dma_wait3A_297 = tpu.memref_slice %arg7[%dma_wait3A_288] : memref<4x!tpu.dma_semaphore, #tpu.memory_space<semaphore_mem>> -> memref<1x!tpu.dma_semaphore, #tpu.memory_space<semaphore_mem>>
      %dma_wait3A_298 = tpu.memref_squeeze %dma_wait3A_297 : memref<1x!tpu.dma_semaphore, #tpu.memory_space<semaphore_mem>> -> memref<!tpu.dma_semaphore, #tpu.memory_space<semaphore_mem>>
      tpu.wait_indirect_dma semaphore(%dma_wait3A_298 : memref<!tpu.dma_semaphore, #tpu.memory_space<semaphore_mem>>) src(%dma_wait3A_296 : memref<100000x1024xf32, #tpu.memory_space<hbm>>) dst(%dma_wait3A_292 : memref<16x1024xf32, #tpu.memory_space<vmem>>)
      %mul3A_299 = arith.constant 16 : i32
      %mul3A_300 = arith.muli %add3A_284, %mul3A_299 : i32
      %add3A_301 = arith.addi %mul3A_2, %mul3A_300 : i32
      %dma_start3A_302 = arith.constant 3 : i32
      %dma_start3A_303 = arith.constant 3 : i32
      %dma_start3A_304 = arith.constant 0 : i32
      %dma_start3A_305 = arith.constant 0 : i32
      %dma_start3A_306 = tpu.memref_slice %arg6[%dma_start3A_302, %dma_start3A_304, %dma_start3A_305] : memref<4x16x1024xf32, #tpu.memory_space<vmem>> -> memref<1x16x1024xf32, #tpu.memory_space<vmem>>
      %dma_start3A_307 = tpu.memref_squeeze %dma_start3A_306 : memref<1x16x1024xf32, #tpu.memory_space<vmem>> -> memref<16x1024xf32, #tpu.memory_space<vmem>>
      %dma_start3A_308 = arith.constant 0 : i32
      %dma_start3A_309 = tpu.memref_slice %arg4[%add3A_301, %dma_start3A_308] : memref<16384x1024xf32, #tpu.memory_space<hbm>> -> memref<16x1024xf32, #tpu.memory_space<hbm>>
      %dma_start3A_310 = tpu.memref_slice %arg8[%dma_start3A_303] : memref<4x!tpu.dma_semaphore, #tpu.memory_space<semaphore_mem>> -> memref<1x!tpu.dma_semaphore, #tpu.memory_space<semaphore_mem>>
      %dma_start3A_311 = tpu.memref_squeeze %dma_start3A_310 : memref<1x!tpu.dma_semaphore, #tpu.memory_space<semaphore_mem>> -> memref<!tpu.dma_semaphore, #tpu.memory_space<semaphore_mem>>
      %dma_start3A_312 = arith.constant 0 : i32
      %dma_start3A_313 = tpu.memref_slice %arg4[%add3A_301, %dma_start3A_312] : memref<16384x1024xf32, #tpu.memory_space<hbm>> -> memref<16x1024xf32, #tpu.memory_space<hbm>>
      %dma_start3A_314 = arith.constant 0 : i32
      %dma_start3A_315 = arith.constant 0 : i32
      %dma_start3A_316 = tpu.memref_slice %arg6[%dma_start3A_302, %dma_start3A_314, %dma_start3A_315] : memref<4x16x1024xf32, #tpu.memory_space<vmem>> -> memref<1x16x1024xf32, #tpu.memory_space<vmem>>
      %dma_start3A_317 = tpu.memref_squeeze %dma_start3A_316 : memref<1x16x1024xf32, #tpu.memory_space<vmem>> -> memref<16x1024xf32, #tpu.memory_space<vmem>>
      tpu.enqueue_dma source(%dma_start3A_317 : memref<16x1024xf32, #tpu.memory_space<vmem>>) target(%dma_start3A_313 : memref<16x1024xf32, #tpu.memory_space<hbm>>) target_semaphore(%dma_start3A_311 : memref<!tpu.dma_semaphore, #tpu.memory_space<semaphore_mem>>)
      %add3A_318 = arith.constant 4 : i32
      %add3A_319 = arith.addi %add3A_284, %add3A_318 : i32
      %lt3A_320 = arith.constant 32 : i32
      %lt3A_321 = arith.cmpi slt, %add3A_319, %lt3A_320 : i32
      %convert_element_type3A_322 = arith.extui %lt3A_321 : i1 to i32
      %cond3A_323 = arith.constant 0 : i32
      %cond3A_324 = arith.cmpi ne, %convert_element_type3A_322, %cond3A_323 : i32
      scf.if %cond3A_324 {
        %mul3A_325 = arith.constant 16 : i32
        %mul3A_326 = arith.muli %add3A_284, %mul3A_325 : i32
        %add3A_327 = arith.addi %mul3A_2, %mul3A_326 : i32
        %dma_wait3A_328 = arith.constant 3 : i32
        %dma_wait3A_329 = arith.constant 3 : i32
        %dma_wait3A_330 = arith.constant 0 : i32
        %dma_wait3A_331 = arith.constant 0 : i32
        %dma_wait3A_332 = tpu.memref_slice %arg6[%dma_wait3A_328, %dma_wait3A_330, %dma_wait3A_331] : memref<4x16x1024xf32, #tpu.memory_space<vmem>> -> memref<1x16x1024xf32, #tpu.memory_space<vmem>>
        %dma_wait3A_333 = tpu.memref_squeeze %dma_wait3A_332 : memref<1x16x1024xf32, #tpu.memory_space<vmem>> -> memref<16x1024xf32, #tpu.memory_space<vmem>>
        %dma_wait3A_334 = arith.constant 0 : i32
        %dma_wait3A_335 = tpu.memref_slice %arg4[%add3A_327, %dma_wait3A_334] : memref<16384x1024xf32, #tpu.memory_space<hbm>> -> memref<16x1024xf32, #tpu.memory_space<hbm>>
        %dma_wait3A_336 = tpu.memref_slice %arg8[%dma_wait3A_329] : memref<4x!tpu.dma_semaphore, #tpu.memory_space<semaphore_mem>> -> memref<1x!tpu.dma_semaphore, #tpu.memory_space<semaphore_mem>>
        %dma_wait3A_337 = tpu.memref_squeeze %dma_wait3A_336 : memref<1x!tpu.dma_semaphore, #tpu.memory_space<semaphore_mem>> -> memref<!tpu.dma_semaphore, #tpu.memory_space<semaphore_mem>>
        %dma_wait3A_338 = arith.constant 0 : i32
        %dma_wait3A_339 = tpu.memref_slice %arg4[%add3A_327, %dma_wait3A_338] : memref<16384x1024xf32, #tpu.memory_space<hbm>> -> memref<16x1024xf32, #tpu.memory_space<hbm>>
        %dma_wait3A_340 = arith.constant 0 : i32
        %dma_wait3A_341 = arith.constant 0 : i32
        %dma_wait3A_342 = tpu.memref_slice %arg6[%dma_wait3A_328, %dma_wait3A_340, %dma_wait3A_341] : memref<4x16x1024xf32, #tpu.memory_space<vmem>> -> memref<1x16x1024xf32, #tpu.memory_space<vmem>>
        %dma_wait3A_343 = tpu.memref_squeeze %dma_wait3A_342 : memref<1x16x1024xf32, #tpu.memory_space<vmem>> -> memref<16x1024xf32, #tpu.memory_space<vmem>>
        tpu.wait_dma2 semaphore(%dma_wait3A_337 : memref<!tpu.dma_semaphore, #tpu.memory_space<semaphore_mem>>) src(%dma_wait3A_343 : memref<16x1024xf32, #tpu.memory_space<vmem>>) dst(%dma_wait3A_339 : memref<16x1024xf32, #tpu.memory_space<hbm>>)
        %add3A_344 = arith.constant 4 : i32
        %add3A_345 = arith.addi %add3A_284, %add3A_344 : i32
        %mul3A_346 = arith.constant 16 : i32
        %mul3A_347 = arith.muli %add3A_345, %mul3A_346 : i32
        %dma_start3A_348 = arith.constant 3 : i32
        %dma_start3A_349 = arith.constant 3 : i32
        %dma_start3A_350 = arith.constant 0 : i32
        %dma_start3A_351 = arith.constant 0 : i32
        %dma_start3A_352 = tpu.memref_slice %arg6[%dma_start3A_348, %dma_start3A_350, %dma_start3A_351] : memref<4x16x1024xf32, #tpu.memory_space<vmem>> -> memref<1x16x1024xf32, #tpu.memory_space<vmem>>
        %dma_start3A_353 = tpu.memref_squeeze %dma_start3A_352 : memref<1x16x1024xf32, #tpu.memory_space<vmem>> -> memref<16x1024xf32, #tpu.memory_space<vmem>>
        %dma_start3A_354 = tpu.memref_slice %arg5[%mul3A_347] : memref<512xi32, #tpu.memory_space<vmem>> -> memref<16xi32, #tpu.memory_space<vmem>>
        %dma_start3A_355 = arith.constant 0 : i32
        %dma_start3A_356 = arith.constant 0 : i32
        %dma_start3A_357 = tpu.memref_slice %arg3[%dma_start3A_355, %dma_start3A_356] : memref<100000x1024xf32, #tpu.memory_space<hbm>> -> memref<100000x1024xf32, #tpu.memory_space<hbm>>
        %dma_start3A_358 = tpu.memref_slice %arg7[%dma_start3A_349] : memref<4x!tpu.dma_semaphore, #tpu.memory_space<semaphore_mem>> -> memref<1x!tpu.dma_semaphore, #tpu.memory_space<semaphore_mem>>
        %dma_start3A_359 = tpu.memref_squeeze %dma_start3A_358 : memref<1x!tpu.dma_semaphore, #tpu.memory_space<semaphore_mem>> -> memref<!tpu.dma_semaphore, #tpu.memory_space<semaphore_mem>>
        tpu.enqueue_indirect_dma source(%dma_start3A_357 : memref<100000x1024xf32, #tpu.memory_space<hbm>>) target(%dma_start3A_353 : memref<16x1024xf32, #tpu.memory_space<vmem>>) offsets(%dma_start3A_354 : memref<16xi32, #tpu.memory_space<vmem>>) semaphore(%dma_start3A_359 : memref<!tpu.dma_semaphore, #tpu.memory_space<semaphore_mem>>)
      } else {
      }
    }
    %scan3A_82 = arith.constant 8 : i32
    %add3A_83 = arith.constant 448 : i32
    %add3A_84 = arith.addi %mul3A_2, %add3A_83 : i32
    %dma_wait3A_85 = arith.constant 0 : i32
    %dma_wait3A_86 = arith.constant 0 : i32
    %dma_wait3A_87 = arith.constant 0 : i32
    %dma_wait3A_88 = arith.constant 0 : i32
    %dma_wait3A_89 = tpu.memref_slice %arg6[%dma_wait3A_85, %dma_wait3A_87, %dma_wait3A_88] : memref<4x16x1024xf32, #tpu.memory_space<vmem>> -> memref<1x16x1024xf32, #tpu.memory_space<vmem>>
    %dma_wait3A_90 = tpu.memref_squeeze %dma_wait3A_89 : memref<1x16x1024xf32, #tpu.memory_space<vmem>> -> memref<16x1024xf32, #tpu.memory_space<vmem>>
    %dma_wait3A_91 = arith.constant 0 : i32
    %dma_wait3A_92 = tpu.memref_slice %arg4[%add3A_84, %dma_wait3A_91] : memref<16384x1024xf32, #tpu.memory_space<hbm>> -> memref<16x1024xf32, #tpu.memory_space<hbm>>
    %dma_wait3A_93 = tpu.memref_slice %arg8[%dma_wait3A_86] : memref<4x!tpu.dma_semaphore, #tpu.memory_space<semaphore_mem>> -> memref<1x!tpu.dma_semaphore, #tpu.memory_space<semaphore_mem>>
    %dma_wait3A_94 = tpu.memref_squeeze %dma_wait3A_93 : memref<1x!tpu.dma_semaphore, #tpu.memory_space<semaphore_mem>> -> memref<!tpu.dma_semaphore, #tpu.memory_space<semaphore_mem>>
    %dma_wait3A_95 = arith.constant 0 : i32
    %dma_wait3A_96 = tpu.memref_slice %arg4[%add3A_84, %dma_wait3A_95] : memref<16384x1024xf32, #tpu.memory_space<hbm>> -> memref<16x1024xf32, #tpu.memory_space<hbm>>
    %dma_wait3A_97 = arith.constant 0 : i32
    %dma_wait3A_98 = arith.constant 0 : i32
    %dma_wait3A_99 = tpu.memref_slice %arg6[%dma_wait3A_85, %dma_wait3A_97, %dma_wait3A_98] : memref<4x16x1024xf32, #tpu.memory_space<vmem>> -> memref<1x16x1024xf32, #tpu.memory_space<vmem>>
    %dma_wait3A_100 = tpu.memref_squeeze %dma_wait3A_99 : memref<1x16x1024xf32, #tpu.memory_space<vmem>> -> memref<16x1024xf32, #tpu.memory_space<vmem>>
    tpu.wait_dma2 semaphore(%dma_wait3A_94 : memref<!tpu.dma_semaphore, #tpu.memory_space<semaphore_mem>>) src(%dma_wait3A_100 : memref<16x1024xf32, #tpu.memory_space<vmem>>) dst(%dma_wait3A_96 : memref<16x1024xf32, #tpu.memory_space<hbm>>)
    %add3A_101 = arith.constant 464 : i32
    %add3A_102 = arith.addi %mul3A_2, %add3A_101 : i32
    %dma_wait3A_103 = arith.constant 1 : i32
    %dma_wait3A_104 = arith.constant 1 : i32
    %dma_wait3A_105 = arith.constant 0 : i32
    %dma_wait3A_106 = arith.constant 0 : i32
    %dma_wait3A_107 = tpu.memref_slice %arg6[%dma_wait3A_103, %dma_wait3A_105, %dma_wait3A_106] : memref<4x16x1024xf32, #tpu.memory_space<vmem>> -> memref<1x16x1024xf32, #tpu.memory_space<vmem>>
    %dma_wait3A_108 = tpu.memref_squeeze %dma_wait3A_107 : memref<1x16x1024xf32, #tpu.memory_space<vmem>> -> memref<16x1024xf32, #tpu.memory_space<vmem>>
    %dma_wait3A_109 = arith.constant 0 : i32
    %dma_wait3A_110 = tpu.memref_slice %arg4[%add3A_102, %dma_wait3A_109] : memref<16384x1024xf32, #tpu.memory_space<hbm>> -> memref<16x1024xf32, #tpu.memory_space<hbm>>
    %dma_wait3A_111 = tpu.memref_slice %arg8[%dma_wait3A_104] : memref<4x!tpu.dma_semaphore, #tpu.memory_space<semaphore_mem>> -> memref<1x!tpu.dma_semaphore, #tpu.memory_space<semaphore_mem>>
    %dma_wait3A_112 = tpu.memref_squeeze %dma_wait3A_111 : memref<1x!tpu.dma_semaphore, #tpu.memory_space<semaphore_mem>> -> memref<!tpu.dma_semaphore, #tpu.memory_space<semaphore_mem>>
    %dma_wait3A_113 = arith.constant 0 : i32
    %dma_wait3A_114 = tpu.memref_slice %arg4[%add3A_102, %dma_wait3A_113] : memref<16384x1024xf32, #tpu.memory_space<hbm>> -> memref<16x1024xf32, #tpu.memory_space<hbm>>
    %dma_wait3A_115 = arith.constant 0 : i32
    %dma_wait3A_116 = arith.constant 0 : i32
    %dma_wait3A_117 = tpu.memref_slice %arg6[%dma_wait3A_103, %dma_wait3A_115, %dma_wait3A_116] : memref<4x16x1024xf32, #tpu.memory_space<vmem>> -> memref<1x16x1024xf32, #tpu.memory_space<vmem>>
    %dma_wait3A_118 = tpu.memref_squeeze %dma_wait3A_117 : memref<1x16x1024xf32, #tpu.memory_space<vmem>> -> memref<16x1024xf32, #tpu.memory_space<vmem>>
    tpu.wait_dma2 semaphore(%dma_wait3A_112 : memref<!tpu.dma_semaphore, #tpu.memory_space<semaphore_mem>>) src(%dma_wait3A_118 : memref<16x1024xf32, #tpu.memory_space<vmem>>) dst(%dma_wait3A_114 : memref<16x1024xf32, #tpu.memory_space<hbm>>)
    %add3A_119 = arith.constant 480 : i32
    %add3A_120 = arith.addi %mul3A_2, %add3A_119 : i32
    %dma_wait3A_121 = arith.constant 2 : i32
    %dma_wait3A_122 = arith.constant 2 : i32
    %dma_wait3A_123 = arith.constant 0 : i32
    %dma_wait3A_124 = arith.constant 0 : i32
    %dma_wait3A_125 = tpu.memref_slice %arg6[%dma_wait3A_121, %dma_wait3A_123, %dma_wait3A_124] : memref<4x16x1024xf32, #tpu.memory_space<vmem>> -> memref<1x16x1024xf32, #tpu.memory_space<vmem>>
    %dma_wait3A_126 = tpu.memref_squeeze %dma_wait3A_125 : memref<1x16x1024xf32, #tpu.memory_space<vmem>> -> memref<16x1024xf32, #tpu.memory_space<vmem>>
    %dma_wait3A_127 = arith.constant 0 : i32
    %dma_wait3A_128 = tpu.memref_slice %arg4[%add3A_120, %dma_wait3A_127] : memref<16384x1024xf32, #tpu.memory_space<hbm>> -> memref<16x1024xf32, #tpu.memory_space<hbm>>
    %dma_wait3A_129 = tpu.memref_slice %arg8[%dma_wait3A_122] : memref<4x!tpu.dma_semaphore, #tpu.memory_space<semaphore_mem>> -> memref<1x!tpu.dma_semaphore, #tpu.memory_space<semaphore_mem>>
    %dma_wait3A_130 = tpu.memref_squeeze %dma_wait3A_129 : memref<1x!tpu.dma_semaphore, #tpu.memory_space<semaphore_mem>> -> memref<!tpu.dma_semaphore, #tpu.memory_space<semaphore_mem>>
    %dma_wait3A_131 = arith.constant 0 : i32
    %dma_wait3A_132 = tpu.memref_slice %arg4[%add3A_120, %dma_wait3A_131] : memref<16384x1024xf32, #tpu.memory_space<hbm>> -> memref<16x1024xf32, #tpu.memory_space<hbm>>
    %dma_wait3A_133 = arith.constant 0 : i32
    %dma_wait3A_134 = arith.constant 0 : i32
    %dma_wait3A_135 = tpu.memref_slice %arg6[%dma_wait3A_121, %dma_wait3A_133, %dma_wait3A_134] : memref<4x16x1024xf32, #tpu.memory_space<vmem>> -> memref<1x16x1024xf32, #tpu.memory_space<vmem>>
    %dma_wait3A_136 = tpu.memref_squeeze %dma_wait3A_135 : memref<1x16x1024xf32, #tpu.memory_space<vmem>> -> memref<16x1024xf32, #tpu.memory_space<vmem>>
    tpu.wait_dma2 semaphore(%dma_wait3A_130 : memref<!tpu.dma_semaphore, #tpu.memory_space<semaphore_mem>>) src(%dma_wait3A_136 : memref<16x1024xf32, #tpu.memory_space<vmem>>) dst(%dma_wait3A_132 : memref<16x1024xf32, #tpu.memory_space<hbm>>)
    %add3A_137 = arith.constant 496 : i32
    %add3A_138 = arith.addi %mul3A_2, %add3A_137 : i32
    %dma_wait3A_139 = arith.constant 3 : i32
    %dma_wait3A_140 = arith.constant 3 : i32
    %dma_wait3A_141 = arith.constant 0 : i32
    %dma_wait3A_142 = arith.constant 0 : i32
    %dma_wait3A_143 = tpu.memref_slice %arg6[%dma_wait3A_139, %dma_wait3A_141, %dma_wait3A_142] : memref<4x16x1024xf32, #tpu.memory_space<vmem>> -> memref<1x16x1024xf32, #tpu.memory_space<vmem>>
    %dma_wait3A_144 = tpu.memref_squeeze %dma_wait3A_143 : memref<1x16x1024xf32, #tpu.memory_space<vmem>> -> memref<16x1024xf32, #tpu.memory_space<vmem>>
    %dma_wait3A_145 = arith.constant 0 : i32
    %dma_wait3A_146 = tpu.memref_slice %arg4[%add3A_138, %dma_wait3A_145] : memref<16384x1024xf32, #tpu.memory_space<hbm>> -> memref<16x1024xf32, #tpu.memory_space<hbm>>
    %dma_wait3A_147 = tpu.memref_slice %arg8[%dma_wait3A_140] : memref<4x!tpu.dma_semaphore, #tpu.memory_space<semaphore_mem>> -> memref<1x!tpu.dma_semaphore, #tpu.memory_space<semaphore_mem>>
    %dma_wait3A_148 = tpu.memref_squeeze %dma_wait3A_147 : memref<1x!tpu.dma_semaphore, #tpu.memory_space<semaphore_mem>> -> memref<!tpu.dma_semaphore, #tpu.memory_space<semaphore_mem>>
    %dma_wait3A_149 = arith.constant 0 : i32
    %dma_wait3A_150 = tpu.memref_slice %arg4[%add3A_138, %dma_wait3A_149] : memref<16384x1024xf32, #tpu.memory_space<hbm>> -> memref<16x1024xf32, #tpu.memory_space<hbm>>
    %dma_wait3A_151 = arith.constant 0 : i32
    %dma_wait3A_152 = arith.constant 0 : i32
    %dma_wait3A_153 = tpu.memref_slice %arg6[%dma_wait3A_139, %dma_wait3A_151, %dma_wait3A_152] : memref<4x16x1024xf32, #tpu.memory_space<vmem>> -> memref<1x16x1024xf32, #tpu.memory_space<vmem>>
    %dma_wait3A_154 = tpu.memref_squeeze %dma_wait3A_153 : memref<1x16x1024xf32, #tpu.memory_space<vmem>> -> memref<16x1024xf32, #tpu.memory_space<vmem>>
    tpu.wait_dma2 semaphore(%dma_wait3A_148 : memref<!tpu.dma_semaphore, #tpu.memory_space<semaphore_mem>>) src(%dma_wait3A_154 : memref<16x1024xf32, #tpu.memory_space<vmem>>) dst(%dma_wait3A_150 : memref<16x1024xf32, #tpu.memory_space<hbm>>)
    return
  }
}

</mosaic_0001>

<sc_bundles>
// kernel: _gather_rows_sc.3.cloned.1.call-start
scs
__scs_entry_jumppad:
0x0: {  	(pc) =	sbr.rel $0x88, $3  }
0x1: {  	(tag) =	ssettag $0x0;
	lr =	simm.s32 $0x1  }
0x2: {  	[smem:$0x3F9F] =	sst lr;
	_ =	strace $0xD0000000  }
0x3: {  	_ = 	snop  }
0x4: {  	_ = 	snop  }
0x5: {  	_ = 	snop  }
0x6: {  	_ = 	snop  }
0x7: {  	_ = 	snop  }
__scs_overlays_trampoline_lowered:
0x8: {  	[smem:$0x3FAE] =	sst s0  }
0x9: {  	[smem:$0x3FAF] =	sst s1  }
0xa: {  	[smem:$0x3FB0] =	sst s2  }
0xb: {  	[smem:$0x3FB1] =	sst s3  }
0xc: {  	[smem:$0x3FB2] =	sst s4  }
0xd: {  	[smem:$0x3FB3] =	sst s5  }
0xe: {  	[smem:$0x3FB4] =	sst s6  }
0xf: {  	[smem:$0x3FB5] =	sst s7  }
0x10: {  	[smem:$0x3FB6] =	sst s8  }
0x11: {  	[smem:$0x3FB7] =	sst s9;
	s0 =	simm.s32 @!p0 $0x0  }
0x12: {  	s1 =	sld [smem:$0x3F9D];
	s0 =	simm.s32 @p0 $0x1  }
0x13: {  	[smem:$0x3FB8] =	sst s0;
	s0 =	simm.s32 @!p1 $0x0  }
0x14: {  	s2 =	sld [smem:$0x3F9C];
	s0 =	simm.s32 @p1 $0x1  }
0x15: {  	[smem:$0x3FB9] =	sst s0;
	s0 =	simm.s32 @!p2 $0x0  }
0x16: {  	s3 =	sld [smem:$0x3FDB];
	s0 =	simm.s32 @p2 $0x1  }
0x17: {  	s4 =	simm.s32 $0x1BF5;
	[smem:$0x3FBB] =	sst s0  }
0x18: {  	s0 =	sld [smem:$0x3F9E];
	_ =	swait.ge [sflag:s4], $0x0  }
0x19: {  	s7 =	sld [smem:$0x3F9F]  }
0x1a: {  	s8 =	sadd.s32 $0xFFFFE003, lr  }
0x1b: {  	s9 =	sadd.s32 $0xFFFFFEF7, lr;
	s5 =	simm.s32 $0xFFFFFFFF;
	p2 =	slt.u32 s8, $0xFFFFF086  }
0x1c: {  	p1 =	slt.u32 s9, $0xF7A;
	s5 =	simm.s32 @!p2 $0x0  }
0x1d: {  	s5 =	simm.s32 @p1 $0x1;
	p0 =	seq.s32 s7, s2  }
0x1e: {  	s7 =	smul.u32 @!p0 $0xF7A, s2;
	p2 =	seq.s32 @!p0 s5, $0x0  }
0x1f: {  	s9 =	smul.u32 $0xF7A, s1;
	s8 =	simm.s32 @!p0 $0x1BF5;
	p2 =	por !p2, p0  }
0x20: {  	[sflag:s8] =	ssyncset.s32 @!p0 $0xFFFFF086;
	s6 =	sadd.s32 @!p0 s3, s7;
	s7 =	simm.s32 @!p0 $0x108  }
0x21: {  	s3 =	sadd.s32 s3, s9;
	s6 =	sadd.s32 @!p0 $0x88, s6;
	s7 =	simm.s32 @p2 $0x1082  }
0x22: {  	[simem:s7], [sflag:s8] =	dma.local @!p0 [hbm:s6], $0xF7A  }
0x23: {  	s9 =	sor.u32 $0xD0000000, s2;
	s6 =	simm.s32 $0x108;
	_ =	swait.ge @!p0 [sflag:s8], $0x0  }
0x24: {  	s3 =	sadd.s32 $0x88, s3;
	s6 =	simm.s32 @!p1 $0x1082;
	[sflag:s4] =	ssyncset.s32 $0xFFFFF086  }
0x25: {  	[simem:s6], [sflag:s4] =	dma.local [hbm:s3], $0xF7A  }
0x26: {  	[smem:$0x3F9F] =	sst s1;
	(tag) =	ssettag s2;
	_ =	strace s9  }
0x27: {  	s1 =	sld [smem:$0x3FAF]  }
0x28: {  	s2 =	sld [smem:$0x3FB0]  }
0x29: {  	s4 =	sld [smem:$0x3FB2]  }
0x2a: {  	p0 =	seq.s32 s5, $0x0;
	s5 =	sld [smem:$0x3FB3]  }
0x2b: {  	s6 =	sld [smem:$0x3FB4]  }
0x2c: {  	s7 =	sld [smem:$0x3FB5]  }
0x2d: {  	s3 =	simm.s32 $0x108;
	s8 =	sld [smem:$0x3FB6]  }
0x2e: {  	s3 =	simm.s32 @!p0 $0x1082;
	s9 =	sld [smem:$0x3FB7]  }
0x2f: {  	lr =	sadd.s32 s0, s3;
	s0 =	sld [smem:$0x3FAE]  }
0x30: {  	s3 =	sld [smem:$0x3FB1]  }
0x31: {  	[smem:$0x3FBA] =	sst s10  }
0x32: {  	s10 =	sld [smem:$0x3FB8];
	_ =	sdelay $0x3  }
0x33: {  	p0 =	seq.s32 s10, $0x1;
	s10 =	sld [smem:$0x3FBA];
	_ =	sdelay $0x3  }
0x34: {  	[smem:$0x3FBA] =	sst s10  }
0x35: {  	s10 =	sld [smem:$0x3FB9];
	_ =	sdelay $0x3  }
0x36: {  	p1 =	seq.s32 s10, $0x1;
	s10 =	sld [smem:$0x3FBA];
	_ =	sdelay $0x3  }
0x37: {  	[smem:$0x3FBA] =	sst s10  }
0x38: {  	s10 =	sld [smem:$0x3FBB]  }
0x39: {  	_ = 	snop;
	(pc) =	sbr.ind lr, $3  }
0x3a: {  	_ = 	snop  }
0x3b: {  	_ = 	snop  }
0x3c: {  	p2 =	seq.s32 s10, $0x1;
	s10 =	sld [smem:$0x3FBA]  }
0x3d: {  	_ =	shalt  }
0x3e: {  	_ =	shalt  }
0x3f: {  	_ =	shalt  }
0x40: {  	_ =	shalt  }
0x41: {  	_ =	shalt  }
0x42: {  	_ =	shalt  }
0x43: {  	_ =	shalt  }
0x44: {  	_ =	shalt  }
0x45: {  	_ =	shalt  }
0x46: {  	_ =	shalt  }
0x47: {  	_ =	shalt  }
0x48: {  	_ =	shalt  }
0x49: {  	_ =	shalt  }
0x4a: {  	_ =	shalt  }
0x4b: {  	_ =	shalt  }
0x4c: {  	_ =	shalt  }
0x4d: {  	_ =	shalt  }
0x4e: {  	_ =	shalt  }
0x4f: {  	_ =	shalt  }
0x50: {  	_ =	shalt  }
0x51: {  	_ =	shalt  }
0x52: {  	_ =	shalt  }
0x53: {  	_ =	shalt  }
0x54: {  	_ =	shalt  }
0x55: {  	_ =	shalt  }
0x56: {  	_ =	shalt  }
0x57: {  	_ =	shalt  }
0x58: {  	_ =	shalt  }
0x59: {  	_ =	shalt  }
0x5a: {  	_ =	shalt  }
0x5b: {  	_ =	shalt  }
0x5c: {  	_ =	shalt  }
0x5d: {  	_ =	shalt  }
0x5e: {  	_ =	shalt  }
0x5f: {  	_ =	shalt  }
0x60: {  	_ =	shalt  }
0x61: {  	_ =	shalt  }
0x62: {  	_ =	shalt  }
0x63: {  	_ =	shalt  }
0x64: {  	_ =	shalt  }
0x65: {  	_ =	shalt  }
0x66: {  	_ =	shalt  }
0x67: {  	_ =	shalt  }
0x68: {  	_ =	shalt  }
0x69: {  	_ =	shalt  }
0x6a: {  	_ =	shalt  }
0x6b: {  	_ =	shalt  }
0x6c: {  	_ =	shalt  }
0x6d: {  	_ =	shalt  }
0x6e: {  	_ =	shalt  }
0x6f: {  	_ =	shalt  }
0x70: {  	_ =	shalt  }
0x71: {  	_ =	shalt  }
0x72: {  	_ =	shalt  }
0x73: {  	_ =	shalt  }
0x74: {  	_ =	shalt  }
0x75: {  	_ =	shalt  }
0x76: {  	_ =	shalt  }
0x77: {  	_ =	shalt  }
0x78: {  	_ =	shalt  }
0x79: {  	_ =	shalt  }
0x7a: {  	_ =	shalt  }
0x7b: {  	_ =	shalt  }
0x7c: {  	_ =	shalt  }
0x7d: {  	_ =	shalt  }
0x7e: {  	_ =	shalt  }
0x7f: {  	_ =	shalt  }
0x80: {  	_ =	shalt  }
0x81: {  	_ =	shalt  }
0x82: {  	_ =	shalt  }
0x83: {  	_ =	shalt  }
0x84: {  	_ =	shalt  }
0x85: {  	_ =	shalt  }
0x86: {  	_ =	shalt  }
0x87: {  	_ =	shalt  }
.Lfunc_end0:
.L_simem_size_0:
called_computation_lowered:
.L_overlay_start_0:
0x88: {  	s2 =	sld [smem:$0x3FD9]  }
0x89: {  	s3 =	sld [smem:$0x3FFE];
	_ =	sdelay $0x1  }
0x8a: {  	s1 =	srdreg.scid  }
0x8b: {  	s0 =	sand.u32 $0x1, s1  }
0x8c: {  	s18 =	sshll.u32 s0, $0xA;
	s2 =	sadd.s32 s3, s2  }
0x8d: {  	s2 =	sadd.s32 s2, s18  }
0x8e: {  	[smem:$0x3FC6] =	sst s2  }
0x8f: {  	_ = 	snop  }
0x90: {  	s2 =	sld [smem:$0x3FC9]  }
0x91: {  	s19 =	sld [smem:$0x3FC8]  }
0x92: {  	s4 =	sld [smem:$0x3FD0];
	(tm) =	ssettm $0x1  }
0x93: {  	s5 =	sld [smem:$0x3FFB];
	_ =	sdelay $0x3  }
0x94: {  	_ =	strace s5  }
0x95: {  	s5 =	sld [smem:$0x3FFC];
	_ =	sdelay $0x3  }
0x96: {  	_ =	strace s5  }
0x97: {  	s5 =	sld [smem:$0x3FFD];
	_ =	sdelay $0x3  }
0x98: {  	_ =	strace s5  }
0x99: {  	_ =	strace $0x8FFFFFFF  }
0x9a: {  	s20 =	sld [smem:$0x3FDB];
	_ =	sdelay $0x1  }
0x9b: {  	s6 =	simm.s32 $_scs_section_size  }
0x9c: {  	s7 =	simm.s32 $_size__tile_overlayer_lowered;
	s8 =	simm.s32 $_tile_overlayer_lowered  }
0x9d: {  	s23 =	simm.s32 $0x1BFF;
	s22 =	sshll.u32 s8, $0x1;
	s5 =	sadd.s32 s6, s20  }
0x9e: {  	s9 =	simm.s32 $0x0;
	s21 =	sshll.u32 s7, $0x1;
	s7 =	sadd.s32 s22, s5  }
0x9f: {  	[timem:s9], [sflag:s23] =	dma.local [hbm:s7], s21  }
0xa0: {  	_ =	swait.ge [sflag:s23], s21  }
0xa1: {  	s6 =	ssub.s32 $0x0, s21;
	[sflag:s23] =	ssyncset.done $0x0  }
0xa2: {  	[sflag:s23] =	ssyncadd.s32 s6;
	_ =	sdelay $0x1  }
0xa3: {  	s24 =	simm.s32 $0x1B8B  }
0xa4: {  	_ =	swait.ge [sflag:s24], $0x1  }
0xa5: {  	[sflag:s24] =	ssyncset.done $0x0  }
0xa6: {  	s25 =	simm.s32 $0x1B8E;
	[sflag:s24] =	ssyncadd.s32 $0xFFFFFFFF  }
0xa7: {  	s26 =	simm.s32 $execute0_lowered;
	[smem:$0x3FD2] =	sst s25  }
0xa8: {  	s6 =	sshll.u32 s26, $0x1;
	_ =	strace $0x80000046;
	[dreg:$0x1] =	wrdreg $0xFFFFFFFF  }
0xa9: {  	s28 =	simm.s32 $_size_execute0_lowered;
	s5 =	sadd.s32 s5, s6;
	[dreg:$0x0] =	wrdreg $0x0  }
0xaa: {  	s6 =	sshll.u32 s28, $0x1;
	[dreg:$0x2] =	wrdreg s5  }
0xab: {  	[dreg:$0x3] =	wrdreg s6  }
0xac: {  	[dreg:$0x4] =	wrdreg $0xC0  }
0xad: {  	_ =	task [dreg:s9], $0x5FFFF  }
0xae: {  	[dreg:$0x1] =	wrdreg $0xFFFFFFFF  }
0xaf: {  	[dreg:$0x0] =	wrdreg $0x60  }
0xb0: {  	[dreg:$0x2] =	wrdreg s2  }
0xb1: {  	[dreg:$0x3] =	wrdreg s19  }
0xb2: {  	[dreg:$0x4] =	wrdreg s4  }
0xb3: {  	[dreg:$0x5] =	wrdreg $0x9  }
0xb4: {  	_ =	task.clear_ibuf [dreg:s9], $0x6FFFF;
	_ =	strace $0x90000046  }
0xb5: {  	s29 =	simm.s32 $0x9;
	_ =	strace $0x80000048  }
0xb6: {  	_ =	swait.ge [sflag:s29], $0x1  }
0xb7: {  	[sflag:s29] =	ssyncadd.s32 $0xFFFFFFFF  }
0xb8: {  	_ =	strace $0x90000048  }
0xb9: {  	_ =	sfence  }
0xba: {  	s30 =	sld [smem:$0x0];
	_ =	sdelay $0x2  }
0xbb: {  	s31 =	sshll.u32 s1, $0xD;
	s1 =	sshrl.u32 s1, $0x2  }
0xbc: {  	s3 =	sand.u32 $0x4000, s31;
	s1 =	sadd.s32 s1, s30  }
0xbd: {  	s0 =	sor.u32 s3, s0;
	s1 =	sshll.u32 s1, $0x11  }
0xbe: {  	s0 =	sor.u32 s1, s0  }
0xbf: {  	s0 =	sadd.s32 $0x8F2B, s0  }
0xc0: {  	[sflag:s0] =	ssyncadd.remote.s32 $0x1  }
0xc1: {  	_ =	sfence.sel $0xFFFF  }
0xc2: {  	[dreg:$0x0] =	wrdreg $0xFFFFFFFF;
	(pc) =	sbr.abs _section_cstart, $3  }
0xc3: {  	[dreg:$0x1] =	wrdreg $0xFFFFFFFF  }
0xc4: {  	_ =	task.clear_ibuf [dreg:s9], $0x2FFFF;
	_ =	strace $0x9FFFFFFF  }
0xc5: {  	(tm) =	ssettm $0x7FFFFFFF  }
tec
execute0_lowered:
.L_overlay_start_1:
0x0: {  	(tag) =	ssettag $0x1  }
0x1: {  	s0 =	rddreg [dreg:$0x0]  }
0x2: {  	s1 =	srdreg.scid;
	s2 =	rddreg [dreg:$0x1]  }
0x3: {  	s8 =	stileid.u32;
	s4 =	rddreg [dreg:$0x2]  }
0x4: {  	s12 =	simm.s32 $0x9;
	s13 =	simm.s32 $0x200;
	s21 =	simm.s32 $0x4200  }
0x5: {  	s30 =	simm.s32 $0x8200;
	s17 =	simm.s32 $0xC200;
	s18 =	simm.s32 $0xCA00  }
0x6: {  	s19 =	simm.s32 $0xD200;
	s20 =	simm.s32 $0xDA00;
	s22 =	simm.s32 $0xE200  }
0x7: {  	s23 =	simm.s32 $0xEA00;
	s24 =	simm.s32 $0xF200;
	s28 =	simm.s32 $0x2  }
0x8: {  	s29 =	simm.s32 $0x3;
	s31 =	simm.s32 $0x4;
	s11 =	simm.s32 $0x7  }
0x9: {  	s14 =	simm.s32 $0x8;
	s15 =	simm.s32 $0x0;
	s1 =	sand.u32 $0x1, s1  }
0xa: {  	s3 =	sshll.u32 s8, $0xA;
	s26 =	sshll.u32 s8, $0x11;
	s8 =	sadd.s32 $0x300, s2  }
0xb: {  	s5 =	sshll.u32 s1, $0x9;
	s6 =	ssub.s32 $0x2, s1;
	s4 =	sadd.s32 s26, s4  }
0xc: {  	s1 =	sshll.u32 s1, $0x10;
	s26 =	simm.s32 $0x1;
	s5 =	sor.u32 s5, s3  }
0xd: {  	s3 =	simm.s32 $0x0;
	s7 =	sshrl.u32 s6, $0x1;
	s10 =	sadd.s32 s1, s4  }
.Ltmp0:
0xe: {  	s5 =	sshrl.u32 s5, $0x3;
	[smem:$0x7FF] =	sst s3;
	(pc) =	sbr.rel .LBB2_1-.Ltmp0, $4  }
0xf: {  	s25 =	ssub.s32 s6, s7;
	s6 =	sadd.s32 $0x100, s2;
	s5 =	sadd.s32 s0, s5  }
0x10: {  	v2 =	vlaneseq.u32;
	_ =	strace $0x80000047;
	s0 =	smax.u32 s25, $0x1;
	[dreg:$0x4] =	wrdreg s5  }
0x11: {  	vm0 =	vmmov $0xffff;
	v1 =	vshrl.u32 v2, $0x3;
	s7 =	sadd.s32 $0x200, s2;
	s5 =	sadd.s32 $0x8, s5;
	[dreg:$0x6] =	wrdreg s0  }
0x12: {  	v0 =	vand.u32 $0x7, v2;
	v2 =	vor.u32 $0x8, v2;
	v1 =	vmul.u32 $0x8, v1;
	s25 =	simm.s32 $0xFA00;
	s0 =	simm.s32 $0x6;
	[dreg:$0x5] =	wrdreg s5  }
.LBB2_4:
0x13: {  	s1 =	simm.s32 $0x5  }
0x14: {  	_ =	swait.ge [sflag:s1], $0x4000  }
0x15: {  	[sflag:s1] =	ssyncset.done $0x0  }
0x16: {  	[sflag:s1] =	ssyncadd.s32 $0xFFFFC000  }
0x17: {  	_ =	swait.ge [sflag:s0], $0x4000  }
0x18: {  	[sflag:s0] =	ssyncset.done $0x0  }
0x19: {  	[sflag:s0] =	ssyncadd.s32 $0xFFFFC000  }
0x1a: {  	_ =	swait.ge [sflag:s11], $0x4000  }
0x1b: {  	[sflag:s11] =	ssyncset.done $0x0  }
0x1c: {  	[sflag:s11] =	ssyncadd.s32 $0xFFFFC000  }
0x1d: {  	_ =	swait.ge [sflag:s14], $0x4000  }
0x1e: {  	s15 =	sadd.s32 $0x1, s15;
	s16 =	rddreg [dreg:$0x6]  }
0x1f: {  	p0 =	sne.s32 s15, s16  }
.Ltmp1:
0x20: {  	_ = 	snop;
	(pc) =	sbr.rel @!p0 .LBB2_5-.Ltmp1, $3  }
0x21: {  	_ =	sdelay $0x1  }
0x22: {  	[sflag:s14] =	ssyncset.done $0x0  }
0x23: {  	[sflag:s14] =	ssyncadd.s32 $0xFFFFC000  }
.LBB2_1:
0x24: {  	s1 =	rddreg [dreg:$0x4]  }
0x25: {  	[tilespmem:s3], [sflag:$0x9] =	stream.linear.gather [hbm4b:s1+s3], $0x40, $0x38;
	[tilespmem:$0x10200] =	vst v63  }
0x26: {  	s9 =	rddreg [dreg:$0x5];
	s4 =	simm.s32 $0x40  }
0x27: {  	[tilespmem:s4], [sflag:$0x9] =	stream.linear.gather [hbm4b:s9+s3], $0x1C0, $0x38;
	[tilespmem:$0x10200] =	vst v63  }
0x28: {  	_ =	swait.ge [sflag:s12], $0x40  }
0x29: {  	[sflag:s12] =	ssyncset.done $0x0  }
0x2a: {  	[sflag:s12] =	ssyncadd.s32 $0xFFFFFFC0  }
0x2b: {  	v3 =	vld [tilespmem:$0x0];
	_ =	sdelay $0x4  }
0x2c: {  	v4 =	vshll.u32 v3, $0x3  }
0x2d: {  	v3 =	vand.u32 $0x7, v3;
	v4 =	vand.u32 $0xFFFFFFC0, v4  }
0x2e: {  	v3 =	vor.u32 v3, v4  }
0x2f: {  	v4 =	vperm.xlane v3, v0;
	_ =	sdelay $0x1  }
0x30: {  	v4 =	vadd.s32 v1, v4;
	_ =	sdelay $0x4  }
0x31: {  	[tilespmem:s13], [sflag:$0x1] =	stream.indirect_vreg.gather [hbm4b:s2+s3], $0x80, v4, vm0, $0xb8;
	[tilespmem:$0x10200] =	vst v63  }
0x32: {  	s16 =	simm.s32 $0xA00;
	v3 =	vperm.xlane v3, v2  }
0x33: {  	[tilespmem:s16], [sflag:$0x1] =	stream.indirect_vreg.gather [hbm4b:s6+s3], $0x80, v4, vm0, $0xb8;
	[tilespmem:$0x10200] =	vst v63  }
0x34: {  	s4 =	simm.s32 $0x1200;
	v3 =	vadd.s32 v1, v3  }
0x35: {  	[tilespmem:s4], [sflag:$0x1] =	stream.indirect_vreg.gather [hbm4b:s7+s3], $0x80, v4, vm0, $0xb8;
	[tilespmem:$0x10200] =	vst v63  }
0x36: {  	s5 =	simm.s32 $0x1A00  }
0x37: {  	[tilespmem:s5], [sflag:$0x1] =	stream.indirect_vreg.gather [hbm4b:s8+s3], $0x80, v4, vm0, $0xb8;
	[tilespmem:$0x10200] =	vst v63  }
0x38: {  	s9 =	simm.s32 $0x2200  }
0x39: {  	[tilespmem:s9], [sflag:$0x1] =	stream.indirect_vreg.gather [hbm4b:s2+s3], $0x80, v3, vm0, $0xb8;
	[tilespmem:$0x10200] =	vst v63  }
0x3a: {  	s16 =	simm.s32 $0x2A00  }
0x3b: {  	[tilespmem:s16], [sflag:$0x1] =	stream.indirect_vreg.gather [hbm4b:s6+s3], $0x80, v3, vm0, $0xb8;
	[tilespmem:$0x10200] =	vst v63  }
0x3c: {  	s4 =	simm.s32 $0x3200  }
0x3d: {  	[tilespmem:s4], [sflag:$0x1] =	stream.indirect_vreg.gather [hbm4b:s7+s3], $0x80, v3, vm0, $0xb8;
	[tilespmem:$0x10200] =	vst v63  }
0x3e: {  	s5 =	simm.s32 $0x3A00  }
0x3f: {  	[tilespmem:s5], [sflag:$0x1] =	stream.indirect_vreg.gather [hbm4b:s8+s3], $0x80, v3, vm0, $0xb8;
	[tilespmem:$0x10200] =	vst v63  }
0x40: {  	v3 =	vld [tilespmem:$0x10];
	_ =	sdelay $0x4  }
0x41: {  	v61 =	vshll.u32 v3, $0x3  }
0x42: {  	v3 =	vand.u32 $0x7, v3;
	v4 =	vand.u32 $0xFFFFFFC0, v61  }
0x43: {  	v3 =	vor.u32 v3, v4  }
0x44: {  	v4 =	vperm.xlane v3, v0;
	_ =	sdelay $0x1  }
0x45: {  	v4 =	vadd.s32 v1, v4;
	_ =	sdelay $0x4  }
0x46: {  	[tilespmem:s21], [sflag:$0x2] =	stream.indirect_vreg.gather [hbm4b:s2+s3], $0x80, v4, vm0, $0xb8;
	[tilespmem:$0x10200] =	vst v63  }
0x47: {  	s9 =	simm.s32 $0x4A00;
	v3 =	vperm.xlane v3, v2  }
0x48: {  	[tilespmem:s9], [sflag:$0x2] =	stream.indirect_vreg.gather [hbm4b:s6+s3], $0x80, v4, vm0, $0xb8;
	[tilespmem:$0x10200] =	vst v63  }
0x49: {  	s16 =	simm.s32 $0x5200;
	v3 =	vadd.s32 v1, v3  }
0x4a: {  	[tilespmem:s16], [sflag:$0x2] =	stream.indirect_vreg.gather [hbm4b:s7+s3], $0x80, v4, vm0, $0xb8;
	[tilespmem:$0x10200] =	vst v63  }
0x4b: {  	s4 =	simm.s32 $0x5A00  }
0x4c: {  	[tilespmem:s4], [sflag:$0x2] =	stream.indirect_vreg.gather [hbm4b:s8+s3], $0x80, v4, vm0, $0xb8;
	[tilespmem:$0x10200] =	vst v63  }
0x4d: {  	s5 =	simm.s32 $0x6200  }
0x4e: {  	[tilespmem:s5], [sflag:$0x2] =	stream.indirect_vreg.gather [hbm4b:s2+s3], $0x80, v3, vm0, $0xb8;
	[tilespmem:$0x10200] =	vst v63  }
0x4f: {  	s9 =	simm.s32 $0x6A00  }
0x50: {  	[tilespmem:s9], [sflag:$0x2] =	stream.indirect_vreg.gather [hbm4b:s6+s3], $0x80, v3, vm0, $0xb8;
	[tilespmem:$0x10200] =	vst v63  }
0x51: {  	s16 =	simm.s32 $0x7200  }
0x52: {  	[tilespmem:s16], [sflag:$0x2] =	stream.indirect_vreg.gather [hbm4b:s7+s3], $0x80, v3, vm0, $0xb8;
	[tilespmem:$0x10200] =	vst v63  }
0x53: {  	s4 =	simm.s32 $0x7A00  }
0x54: {  	[tilespmem:s4], [sflag:$0x2] =	stream.indirect_vreg.gather [hbm4b:s8+s3], $0x80, v3, vm0, $0xb8;
	[tilespmem:$0x10200] =	vst v63  }
0x55: {  	v3 =	vld [tilespmem:$0x20];
	_ =	sdelay $0x4  }
0x56: {  	v62 =	vshll.u32 v3, $0x3  }
0x57: {  	v3 =	vand.u32 $0x7, v3;
	v4 =	vand.u32 $0xFFFFFFC0, v62  }
0x58: {  	v3 =	vor.u32 v3, v4  }
0x59: {  	v4 =	vperm.xlane v3, v0;
	_ =	sdelay $0x1  }
0x5a: {  	v4 =	vadd.s32 v1, v4;
	_ =	sdelay $0x4  }
0x5b: {  	[tilespmem:s30], [sflag:$0x3] =	stream.indirect_vreg.gather [hbm4b:s2+s3], $0x80, v4, vm0, $0xb8;
	[tilespmem:$0x10200] =	vst v63  }
0x5c: {  	s5 =	simm.s32 $0x8A00;
	v3 =	vperm.xlane v3, v2  }
0x5d: {  	[tilespmem:s5], [sflag:$0x3] =	stream.indirect_vreg.gather [hbm4b:s6+s3], $0x80, v4, vm0, $0xb8;
	[tilespmem:$0x10200] =	vst v63  }
0x5e: {  	s9 =	simm.s32 $0x9200;
	v3 =	vadd.s32 v1, v3  }
0x5f: {  	[tilespmem:s9], [sflag:$0x3] =	stream.indirect_vreg.gather [hbm4b:s7+s3], $0x80, v4, vm0, $0xb8;
	[tilespmem:$0x10200] =	vst v63  }
0x60: {  	s16 =	simm.s32 $0x9A00  }
0x61: {  	[tilespmem:s16], [sflag:$0x3] =	stream.indirect_vreg.gather [hbm4b:s8+s3], $0x80, v4, vm0, $0xb8;
	[tilespmem:$0x10200] =	vst v63  }
0x62: {  	s4 =	simm.s32 $0xA200  }
0x63: {  	[tilespmem:s4], [sflag:$0x3] =	stream.indirect_vreg.gather [hbm4b:s2+s3], $0x80, v3, vm0, $0xb8;
	[tilespmem:$0x10200] =	vst v63  }
0x64: {  	s5 =	simm.s32 $0xAA00  }
0x65: {  	[tilespmem:s5], [sflag:$0x3] =	stream.indirect_vreg.gather [hbm4b:s6+s3], $0x80, v3, vm0, $0xb8;
	[tilespmem:$0x10200] =	vst v63  }
0x66: {  	s9 =	simm.s32 $0xB200  }
0x67: {  	[tilespmem:s9], [sflag:$0x3] =	stream.indirect_vreg.gather [hbm4b:s7+s3], $0x80, v3, vm0, $0xb8;
	[tilespmem:$0x10200] =	vst v63  }
0x68: {  	s16 =	simm.s32 $0xBA00  }
0x69: {  	[tilespmem:s16], [sflag:$0x3] =	stream.indirect_vreg.gather [hbm4b:s8+s3], $0x80, v3, vm0, $0xb8;
	[tilespmem:$0x10200] =	vst v63  }
0x6a: {  	v3 =	vld [tilespmem:$0x30];
	_ =	sdelay $0x4  }
0x6b: {  	v63 =	vshll.u32 v3, $0x3  }
0x6c: {  	v3 =	vand.u32 $0x7, v3;
	v4 =	vand.u32 $0xFFFFFFC0, v63  }
0x6d: {  	v3 =	vor.u32 v3, v4  }
0x6e: {  	v4 =	vperm.xlane v3, v0;
	_ =	sdelay $0x1  }
0x6f: {  	v4 =	vadd.s32 v1, v4;
	_ =	sdelay $0x4  }
0x70: {  	[tilespmem:s17], [sflag:$0x4] =	stream.indirect_vreg.gather [hbm4b:s2+s3], $0x80, v4, vm0, $0xb8;
	[tilespmem:$0x10200] =	vst v63  }
0x71: {  	v3 =	vperm.xlane v3, v2  }
0x72: {  	[tilespmem:s18], [sflag:$0x4] =	stream.indirect_vreg.gather [hbm4b:s6+s3], $0x80, v4, vm0, $0xb8;
	[tilespmem:$0x10200] =	vst v63  }
0x73: {  	v3 =	vadd.s32 v1, v3  }
0x74: {  	[tilespmem:s19], [sflag:$0x4] =	stream.indirect_vreg.gather [hbm4b:s7+s3], $0x80, v4, vm0, $0xb8;
	[tilespmem:$0x10200] =	vst v63  }
0x75: {  	_ = 	snop  }
0x76: {  	[tilespmem:s20], [sflag:$0x4] =	stream.indirect_vreg.gather [hbm4b:s8+s3], $0x80, v4, vm0, $0xb8;
	[tilespmem:$0x10200] =	vst v63  }
0x77: {  	_ = 	snop  }
0x78: {  	[tilespmem:s22], [sflag:$0x4] =	stream.indirect_vreg.gather [hbm4b:s2+s3], $0x80, v3, vm0, $0xb8;
	[tilespmem:$0x10200] =	vst v63  }
0x79: {  	_ = 	snop  }
0x7a: {  	[tilespmem:s23], [sflag:$0x4] =	stream.indirect_vreg.gather [hbm4b:s6+s3], $0x80, v3, vm0, $0xb8;
	[tilespmem:$0x10200] =	vst v63  }
0x7b: {  	_ = 	snop  }
0x7c: {  	[tilespmem:s24], [sflag:$0x4] =	stream.indirect_vreg.gather [hbm4b:s7+s3], $0x80, v3, vm0, $0xb8;
	[tilespmem:$0x10200] =	vst v63  }
0x7d: {  	_ = 	snop  }
0x7e: {  	[tilespmem:s25], [sflag:$0x4] =	stream.indirect_vreg.gather [hbm4b:s8+s3], $0x80, v3, vm0, $0xb8;
	[tilespmem:$0x10200] =	vst v63  }
0x7f: {  	_ =	swait.ge [sflag:s12], $0x1C0  }
0x80: {  	[sflag:s12] =	ssyncset.done $0x0  }
0x81: {  	s5 =	simm.s32 $0x0;
	s16 =	simm.s32 $0x70;
	[sflag:s12] =	ssyncadd.s32 $0xFFFFFE40  }
.LBB2_2:
0x82: {  	_ =	swait.ge [sflag:s26], $0x4000  }
0x83: {  	p0 =	seq.s32 s5, $0xE000;
	[sflag:s26] =	ssyncset.done $0x0  }
0x84: {  	s4 =	sadd.s32 s5, s10;
	s9 =	simm.s32 @!p0 $0x5;
	[sflag:s26] =	ssyncadd.s32 $0xFFFFC000  }
0x85: {  	[hbm4b:s4+s3] =	stream.linear.scatter [tilespmem:s13], [sflag:$0x5], $0x4000, $0x38;
	[tilespmem:$0x10200] =	vst v63  }
0x86: {  	_ =	swait.ge @!p0 [sflag:s9], $0x4000  }
0x87: {  	[sflag:s9] =	ssyncset.done @!p0 $0x0  }
0x88: {  	[sflag:s9] =	ssyncadd.s32 @!p0 $0xFFFFC000  }
0x89: {  	v3 =	vld @!p0 [tilespmem:s16+$0xFFFFFFD0];
	_ =	sdelay $0x4  }
0x8a: {  	v4 =	vshll.u32 @!p0 v3, $0x3  }
0x8b: {  	v5 =	vlaneseq.u32 @!p0;
	v3 =	vand.u32 @!p0 $0x7, v3;
	v4 =	vand.u32 @!p0 $0xFFFFFFC0, v4  }
0x8c: {  	v6 =	vshrl.u32 @!p0 v5, $0x3;
	v3 =	vor.u32 @!p0 v3, v4;
	v4 =	vand.u32 @!p0 $0x7, v5  }
0x8d: {  	v6 =	vmul.u32 @!p0 $0x8, v6;
	v7 =	vperm.xlane @!p0 v3, v4;
	_ =	sdelay $0x1  }
0x8e: {  	v7 =	vadd.s32 @!p0 v6, v7;
	_ =	sdelay $0x3  }
0x8f: {  	vm1 =	vmmov @!p0 $0xffff;
	s1 =	simm.s32 @!p0 $0x200;
	s9 =	simm.s32 @!p0 $0x0  }
0x90: {  	v5 =	vor.u32 @!p0 $0x8, v5;
	[tilespmem:s1], [sflag:$0x1] =	stream.indirect_vreg.gather @!p0 [hbm4b:s2+s9], $0x80, v7, vm1, $0xb8;
	[tilespmem:$0x10200] =	vst v63  }
0x91: {  	v3 =	vperm.xlane @!p0 v3, v5;
	s1 =	simm.s32 @!p0 $0xA00  }
0x92: {  	[tilespmem:s1], [sflag:$0x1] =	stream.indirect_vreg.gather @!p0 [hbm4b:s6+s9], $0x80, v7, vm1, $0xb8;
	[tilespmem:$0x10200] =	vst v63  }
0x93: {  	v3 =	vadd.s32 @!p0 v6, v3;
	s1 =	simm.s32 @!p0 $0x1200  }
0x94: {  	[tilespmem:s1], [sflag:$0x1] =	stream.indirect_vreg.gather @!p0 [hbm4b:s7+s9], $0x80, v7, vm1, $0xb8;
	[tilespmem:$0x10200] =	vst v63  }
0x95: {  	s1 =	simm.s32 @!p0 $0x1A00  }
0x96: {  	[tilespmem:s1], [sflag:$0x1] =	stream.indirect_vreg.gather @!p0 [hbm4b:s8+s9], $0x80, v7, vm1, $0xb8;
	[tilespmem:$0x10200] =	vst v63  }
0x97: {  	s1 =	simm.s32 @!p0 $0x2200  }
0x98: {  	[tilespmem:s1], [sflag:$0x1] =	stream.indirect_vreg.gather @!p0 [hbm4b:s2+s9], $0x80, v3, vm1, $0xb8;
	[tilespmem:$0x10200] =	vst v63  }
0x99: {  	s1 =	simm.s32 @!p0 $0x2A00  }
0x9a: {  	[tilespmem:s1], [sflag:$0x1] =	stream.indirect_vreg.gather @!p0 [hbm4b:s6+s9], $0x80, v3, vm1, $0xb8;
	[tilespmem:$0x10200] =	vst v63  }
0x9b: {  	s1 =	simm.s32 @!p0 $0x3200  }
0x9c: {  	[tilespmem:s1], [sflag:$0x1] =	stream.indirect_vreg.gather @!p0 [hbm4b:s7+s9], $0x80, v3, vm1, $0xb8;
	[tilespmem:$0x10200] =	vst v63  }
0x9d: {  	s1 =	simm.s32 @!p0 $0x3A00  }
0x9e: {  	[tilespmem:s1], [sflag:$0x1] =	stream.indirect_vreg.gather @!p0 [hbm4b:s8+s9], $0x80, v3, vm1, $0xb8;
	[tilespmem:$0x10200] =	vst v63  }
0x9f: {  	_ =	swait.ge [sflag:s28], $0x4000  }
0xa0: {  	[sflag:s28] =	ssyncset.done $0x0  }
0xa1: {  	s1 =	sadd.s32 $0x800, s4;
	[sflag:s28] =	ssyncadd.s32 $0xFFFFC000  }
0xa2: {  	[hbm4b:s1+s3] =	stream.linear.scatter [tilespmem:s21], [sflag:$0x6], $0x4000, $0x38;
	[tilespmem:$0x10200] =	vst v63  }
0xa3: {  	s1 =	simm.s32 @!p0 $0x6  }
0xa4: {  	_ =	swait.ge @!p0 [sflag:s1], $0x4000  }
0xa5: {  	[sflag:s1] =	ssyncset.done @!p0 $0x0  }
0xa6: {  	[sflag:s1] =	ssyncadd.s32 @!p0 $0xFFFFC000  }
0xa7: {  	v3 =	vld @!p0 [tilespmem:s16+$0xFFFFFFE0];
	_ =	sdelay $0x4  }
0xa8: {  	v7 =	vshll.u32 @!p0 v3, $0x3  }
0xa9: {  	v3 =	vand.u32 @!p0 $0x7, v3;
	v7 =	vand.u32 @!p0 $0xFFFFFFC0, v7  }
0xaa: {  	v3 =	vor.u32 @!p0 v3, v7  }
0xab: {  	v7 =	vperm.xlane @!p0 v3, v4;
	_ =	sdelay $0x1  }
0xac: {  	v7 =	vadd.s32 @!p0 v6, v7;
	_ =	sdelay $0x3  }
0xad: {  	s1 =	simm.s32 @!p0 $0x4200  }
0xae: {  	[tilespmem:s1], [sflag:$0x2] =	stream.indirect_vreg.gather @!p0 [hbm4b:s2+s9], $0x80, v7, vm1, $0xb8;
	[tilespmem:$0x10200] =	vst v63  }
0xaf: {  	v3 =	vperm.xlane @!p0 v3, v5;
	s1 =	simm.s32 @!p0 $0x4A00  }
0xb0: {  	[tilespmem:s1], [sflag:$0x2] =	stream.indirect_vreg.gather @!p0 [hbm4b:s6+s9], $0x80, v7, vm1, $0xb8;
	[tilespmem:$0x10200] =	vst v63  }
0xb1: {  	v3 =	vadd.s32 @!p0 v6, v3;
	s1 =	simm.s32 @!p0 $0x5200  }
0xb2: {  	[tilespmem:s1], [sflag:$0x2] =	stream.indirect_vreg.gather @!p0 [hbm4b:s7+s9], $0x80, v7, vm1, $0xb8;
	[tilespmem:$0x10200] =	vst v63  }
0xb3: {  	s1 =	simm.s32 @!p0 $0x5A00  }
0xb4: {  	[tilespmem:s1], [sflag:$0x2] =	stream.indirect_vreg.gather @!p0 [hbm4b:s8+s9], $0x80, v7, vm1, $0xb8;
	[tilespmem:$0x10200] =	vst v63  }
0xb5: {  	s1 =	simm.s32 @!p0 $0x6200  }
0xb6: {  	[tilespmem:s1], [sflag:$0x2] =	stream.indirect_vreg.gather @!p0 [hbm4b:s2+s9], $0x80, v3, vm1, $0xb8;
	[tilespmem:$0x10200] =	vst v63  }
0xb7: {  	s1 =	simm.s32 @!p0 $0x6A00  }
0xb8: {  	[tilespmem:s1], [sflag:$0x2] =	stream.indirect_vreg.gather @!p0 [hbm4b:s6+s9], $0x80, v3, vm1, $0xb8;
	[tilespmem:$0x10200] =	vst v63  }
0xb9: {  	s1 =	simm.s32 @!p0 $0x7200  }
0xba: {  	[tilespmem:s1], [sflag:$0x2] =	stream.indirect_vreg.gather @!p0 [hbm4b:s7+s9], $0x80, v3, vm1, $0xb8;
	[tilespmem:$0x10200] =	vst v63  }
0xbb: {  	s1 =	simm.s32 @!p0 $0x7A00  }
0xbc: {  	[tilespmem:s1], [sflag:$0x2] =	stream.indirect_vreg.gather @!p0 [hbm4b:s8+s9], $0x80, v3, vm1, $0xb8;
	[tilespmem:$0x10200] =	vst v63  }
0xbd: {  	_ =	swait.ge [sflag:s29], $0x4000  }
0xbe: {  	[sflag:s29] =	ssyncset.done $0x0  }
0xbf: {  	s1 =	sadd.s32 $0x1000, s4;
	[sflag:s29] =	ssyncadd.s32 $0xFFFFC000  }
0xc0: {  	[hbm4b:s1+s3] =	stream.linear.scatter [tilespmem:s30], [sflag:$0x7], $0x4000, $0x38;
	[tilespmem:$0x10200] =	vst v63  }
0xc1: {  	s1 =	simm.s32 @!p0 $0x7  }
0xc2: {  	_ =	swait.ge @!p0 [sflag:s1], $0x4000  }
0xc3: {  	[sflag:s1] =	ssyncset.done @!p0 $0x0  }
0xc4: {  	[sflag:s1] =	ssyncadd.s32 @!p0 $0xFFFFC000  }
0xc5: {  	v3 =	vld @!p0 [tilespmem:s16+$0xFFFFFFF0];
	_ =	sdelay $0x4  }
0xc6: {  	v7 =	vshll.u32 @!p0 v3, $0x3  }
0xc7: {  	v3 =	vand.u32 @!p0 $0x7, v3;
	v7 =	vand.u32 @!p0 $0xFFFFFFC0, v7  }
0xc8: {  	v3 =	vor.u32 @!p0 v3, v7  }
0xc9: {  	v4 =	vperm.xlane @!p0 v3, v4;
	_ =	sdelay $0x1  }
0xca: {  	v4 =	vadd.s32 @!p0 v6, v4;
	_ =	sdelay $0x3  }
0xcb: {  	s1 =	simm.s32 @!p0 $0x8200  }
0xcc: {  	[tilespmem:s1], [sflag:$0x3] =	stream.indirect_vreg.gather @!p0 [hbm4b:s2+s9], $0x80, v4, vm1, $0xb8;
	[tilespmem:$0x10200] =	vst v63  }
0xcd: {  	v3 =	vperm.xlane @!p0 v3, v5;
	s1 =	simm.s32 @!p0 $0x8A00  }
0xce: {  	[tilespmem:s1], [sflag:$0x3] =	stream.indirect_vreg.gather @!p0 [hbm4b:s6+s9], $0x80, v4, vm1, $0xb8;
	[tilespmem:$0x10200] =	vst v63  }
0xcf: {  	v3 =	vadd.s32 @!p0 v6, v3;
	s1 =	simm.s32 @!p0 $0x9200  }
0xd0: {  	[tilespmem:s1], [sflag:$0x3] =	stream.indirect_vreg.gather @!p0 [hbm4b:s7+s9], $0x80, v4, vm1, $0xb8;
	[tilespmem:$0x10200] =	vst v63  }
0xd1: {  	s1 =	simm.s32 @!p0 $0x9A00  }
0xd2: {  	[tilespmem:s1], [sflag:$0x3] =	stream.indirect_vreg.gather @!p0 [hbm4b:s8+s9], $0x80, v4, vm1, $0xb8;
	[tilespmem:$0x10200] =	vst v63  }
0xd3: {  	s1 =	simm.s32 @!p0 $0xA200  }
0xd4: {  	[tilespmem:s1], [sflag:$0x3] =	stream.indirect_vreg.gather @!p0 [hbm4b:s2+s9], $0x80, v3, vm1, $0xb8;
	[tilespmem:$0x10200] =	vst v63  }
0xd5: {  	s1 =	simm.s32 @!p0 $0xAA00  }
0xd6: {  	[tilespmem:s1], [sflag:$0x3] =	stream.indirect_vreg.gather @!p0 [hbm4b:s6+s9], $0x80, v3, vm1, $0xb8;
	[tilespmem:$0x10200] =	vst v63  }
0xd7: {  	s1 =	simm.s32 @!p0 $0xB200  }
0xd8: {  	[tilespmem:s1], [sflag:$0x3] =	stream.indirect_vreg.gather @!p0 [hbm4b:s7+s9], $0x80, v3, vm1, $0xb8;
	[tilespmem:$0x10200] =	vst v63  }
0xd9: {  	s1 =	simm.s32 @!p0 $0xBA00  }
0xda: {  	[tilespmem:s1], [sflag:$0x3] =	stream.indirect_vreg.gather @!p0 [hbm4b:s8+s9], $0x80, v3, vm1, $0xb8;
	[tilespmem:$0x10200] =	vst v63  }
.Ltmp2:
0xdb: {  	_ = 	snop;
	(pc) =	sbr.rel @p0 .LBB2_4-.Ltmp2, $4  }
0xdc: {  	_ =	swait.ge [sflag:s31], $0x4000  }
0xdd: {  	[sflag:s31] =	ssyncset.done $0x0  }
0xde: {  	s9 =	sadd.s32 $0x1800, s4;
	[sflag:s31] =	ssyncadd.s32 $0xFFFFC000  }
0xdf: {  	[hbm4b:s9+s3] =	stream.linear.scatter [tilespmem:s17], [sflag:$0x8], $0x4000, $0x38;
	[tilespmem:$0x10200] =	vst v63  }
0xe0: {  	_ =	swait.ge [sflag:s14], $0x4000  }
0xe1: {  	[sflag:s14] =	ssyncset.done $0x0  }
0xe2: {  	[sflag:s14] =	ssyncadd.s32 $0xFFFFC000  }
0xe3: {  	v3 =	vld [tilespmem:s16+$0x0];
	_ =	sdelay $0x4  }
0xe4: {  	v4 =	vshll.u32 v3, $0x3  }
0xe5: {  	v3 =	vand.u32 $0x7, v3;
	v4 =	vand.u32 $0xFFFFFFC0, v4  }
0xe6: {  	v3 =	vor.u32 v3, v4  }
0xe7: {  	v4 =	vperm.xlane v3, v0;
	_ =	sdelay $0x1  }
0xe8: {  	v4 =	vadd.s32 v1, v4;
	_ =	sdelay $0x4  }
0xe9: {  	[tilespmem:s17], [sflag:$0x4] =	stream.indirect_vreg.gather [hbm4b:s2+s3], $0x80, v4, vm0, $0xb8;
	[tilespmem:$0x10200] =	vst v63  }
0xea: {  	v3 =	vperm.xlane v3, v2  }
0xeb: {  	[tilespmem:s18], [sflag:$0x4] =	stream.indirect_vreg.gather [hbm4b:s6+s3], $0x80, v4, vm0, $0xb8;
	[tilespmem:$0x10200] =	vst v63  }
0xec: {  	v3 =	vadd.s32 v1, v3  }
0xed: {  	[tilespmem:s19], [sflag:$0x4] =	stream.indirect_vreg.gather [hbm4b:s7+s3], $0x80, v4, vm0, $0xb8;
	[tilespmem:$0x10200] =	vst v63  }
0xee: {  	_ = 	snop  }
0xef: {  	[tilespmem:s20], [sflag:$0x4] =	stream.indirect_vreg.gather [hbm4b:s8+s3], $0x80, v4, vm0, $0xb8;
	[tilespmem:$0x10200] =	vst v63  }
0xf0: {  	_ = 	snop  }
0xf1: {  	[tilespmem:s22], [sflag:$0x4] =	stream.indirect_vreg.gather [hbm4b:s2+s3], $0x80, v3, vm0, $0xb8;
	[tilespmem:$0x10200] =	vst v63  }
0xf2: {  	_ = 	snop  }
0xf3: {  	[tilespmem:s23], [sflag:$0x4] =	stream.indirect_vreg.gather [hbm4b:s6+s3], $0x80, v3, vm0, $0xb8;
	[tilespmem:$0x10200] =	vst v63  }
.Ltmp3:
0xf4: {  	_ = 	snop;
	(pc) =	sbr.rel .LBB2_2-.Ltmp3, $4  }
0xf5: {  	_ = 	snop  }
0xf6: {  	[tilespmem:s24], [sflag:$0x4] =	stream.indirect_vreg.gather [hbm4b:s7+s3], $0x80, v3, vm0, $0xb8;
	[tilespmem:$0x10200] =	vst v63  }
0xf7: {  	s5 =	sadd.s32 $0x2000, s5;
	s16 =	sadd.s32 $0x40, s16  }
0xf8: {  	[tilespmem:s25], [sflag:$0x4] =	stream.indirect_vreg.gather [hbm4b:s8+s3], $0x80, v3, vm0, $0xb8;
	[tilespmem:$0x10200] =	vst v63  }
.LBB2_5:
0xf9: {  	_ =	sfence.sel $0x180000  }
0xfa: {  	[bflag:$0x0] =	sbarrier.arrive $0xFFFF  }
0xfb: {  	_ =	strace $0x90000047  }
0xfc: {  	s0 =	stileid.u32;
	[bflag:$0x2] =	sbarrier.arrive $0xFFFF  }
0xfd: {  	p0 =	sne.s32 s0, $0x0;
	s0 =	rddreg [dreg:$0x3]  }
0xfe: {  	s0 =	sadd.s32 @!p0 $0x100000, s0  }
0xff: {  	[sflag:s0] =	ssyncadd.tile.s32 @!p0 $0x1;
	_ =	shalt  }
.Lfunc_end2:
_tile_overlayer_lowered:
.L_overlay_start_2:
0x100: {  	(tag) =	ssettag $0x2  }
0x101: {  	s0 =	rddreg [dreg:$0x0];
	s2 =	stileid.u32  }
0x102: {  	s1 =	rddreg [dreg:$0x1];
	p0 =	sne.s32 s2, $0x0  }
0x103: {  	s3 =	rddreg [dreg:$0x2];
	[bflag:$0x3] =	sbarrier.arrive $0xFFFF;
	s2 =	simm.s32 @!p0 $0x1C0A  }
0x104: {  	[timem:s3], [sflag:s2] =	dma.local @!p0 [hbm:s0], s1  }
0x105: {  	s0 =	simm.s32 @!p0 $0xA  }
0x106: {  	_ =	swait.ge @!p0 [sflag:s0], s1  }
0x107: {  	s1 =	ssub.s32 @!p0 $0x0, s1;
	[sflag:s0] =	ssyncset.done @!p0 $0x0  }
0x108: {  	[sflag:s0] =	ssyncadd.s32 @!p0 s1  }
0x109: {  	[bflag:$0x3] =	sbarrier.arrive $0xFFFF  }
0x10a: {  	_ =	shalt  }

</sc_bundles>
